<compile_context>
chip_gen: v7x
topology: tpu7x:2x2x1
jax: 0.10.2.dev20260603
libtpu: 0.0.44.dev20260713+nightly
codegen_flags: <defaults>
</compile_context>

<pallas_src>
import jax
import jax.numpy as jnp
from jax import lax
from jax.experimental import pallas as pl
from jax.experimental.pallas import tpu as pltpu
from jax.experimental.pallas import tpu_sc as plsc

_BATCH = 16384
_NF = 26
_NC = 2
_NS = 16
_NW = _NC * _NS
_RPW = _BATCH // _NW
_IPW = _RPW * _NF
_CHUNKS = _RPW // 16


_GROUPS = ((0, 7), (7, 13), (13, 20), (20, 26))


def _sc_body(xt_hbm, table_hbm, bias_hbm, out_hbm, idx_v, val_v, out_v, bias_v,
             sem, gsem0, gsem1, gsem2, gsem3, bsem):
    wid = lax.axis_index("s") * _NC + lax.axis_index("c")
    base = wid * _RPW

    pltpu.async_copy(bias_hbm, bias_v.at[pl.ds(0, 1)], bsem)

    stage = [
        pltpu.async_copy(
            xt_hbm.at[f, pl.ds(base, _RPW)],
            idx_v.at[pl.ds(f * _RPW, _RPW)],
            sem,
        )
        for f in range(_NF)
    ]
    tbl = table_hbm.at[0]
    gsems = (gsem0, gsem1, gsem2, gsem3)

    gathers = []
    for (f0, f1), gs in zip(_GROUPS, gsems):
        for d in stage[f0:f1]:
            d.wait()
        lo, n = f0 * _RPW, (f1 - f0) * _RPW
        gathers.append(
            pltpu.async_copy(
                tbl.at[idx_v.at[pl.ds(lo, n)]], val_v.at[pl.ds(lo, n)], gs
            )
        )

    pltpu.make_async_copy(bias_hbm, bias_v.at[pl.ds(0, 1)], bsem).wait()
    b = bias_v[...][0]

    for gi, ((f0, f1), g) in enumerate(zip(_GROUPS, gathers)):
        g.wait()
        first, last = gi == 0, gi == len(_GROUPS) - 1

        def grp_body(c, carry, f0=f0, f1=f1, first=first, last=last):
            acc = b if first else out_v[pl.ds(c * 16, 16)]
            for f in range(f0, f1):
                acc = acc + val_v[pl.ds(f * _RPW + c * 16, 16)]
            out_v[pl.ds(c * 16, 16)] = acc
            return carry

        lax.fori_loop(0, _CHUNKS, grp_body, 0)

    pltpu.sync_copy(out_v, out_hbm.at[pl.ds(base, _RPW)])


_sc_call = pl.kernel(
    _sc_body,
    out_type=jax.ShapeDtypeStruct((_BATCH,), jnp.float32),
    mesh=plsc.VectorSubcoreMesh(core_axis_name="c", subcore_axis_name="s"),
    scratch_types=[
        pltpu.VMEM((_IPW,), jnp.int32),
        pltpu.VMEM((_IPW,), jnp.float32),
        pltpu.VMEM((_RPW,), jnp.float32),
        pltpu.VMEM((16,), jnp.float32),
        pltpu.SemaphoreType.DMA,
        pltpu.SemaphoreType.DMA,
        pltpu.SemaphoreType.DMA,
        pltpu.SemaphoreType.DMA,
        pltpu.SemaphoreType.DMA,
        pltpu.SemaphoreType.DMA,
    ],
    compiler_params=pltpu.CompilerParams(needs_layout_passes=False),
)


@jax.jit
def kernel(x, table, bias):
    out = _sc_call(x.T, table.T, bias)
    return out.reshape(-1, 1)

# --- scband reference (transcript-rebuilt; emitter-appended) ---
"""Pipeline reference for scband-linear-work-16965120819775 (READ-ONLY COPY).

The authoritative reference and input builder live on the scoring server;
editing this copy changes nothing except your own understanding.
"""

import jax, jax.numpy as jnp
import numpy as np

FIELD_DIMS = [38462] * 26
NUM_EMB = sum(FIELD_DIMS)  # 1000012
BATCH = 16384
N_FIELDS = 26


def setup_inputs(seed: int = 0) -> dict:
    key = jax.random.key(seed)
    k1, k2 = jax.random.split(key)
    x = jax.random.randint(k1, (BATCH, N_FIELDS), 0, NUM_EMB, dtype=jnp.int32)
    table = jax.random.normal(k2, (NUM_EMB, 1), dtype=jnp.float32) * 0.01
    bias = jnp.zeros((1,), dtype=jnp.float32)
    return {"x": x, "table": table, "bias": bias}


def reference(x, table, bias):
    # emb = self.embed(x): gather rows -> [N, n_fields, 1]
    emb = jnp.take(table, x, axis=0)
    # sum over (field, embed) dims + bias -> [N]
    out = jnp.sum(emb, axis=(1, 2)) + bias
    return jnp.reshape(out, (-1, 1))

if __name__ == "__main__":
    import jax
    _d = setup_inputs()
    print(jax.jit(kernel)(*tuple(_d.values())))

</pallas_src>

<mosaic_0001>
#map = affine_map<(d0, d1) -> (0, 0)>
#map1 = affine_map<(d0, d1) -> (0)>
module attributes {stable_mosaic.version = 14 : i64} {
  func.func @_sc_body(%arg0: i32, %arg1: i32, %arg2: memref<26x16384xi32, #tpu.memory_space<hbm>>, %arg3: memref<1x1000012xf32, #tpu.memory_space<hbm>>, %arg4: memref<1xf32, #tpu.memory_space<hbm>>, %arg5: memref<16384xf32, #tpu.memory_space<hbm>>, %arg6: memref<13312xi32, #tpu.memory_space<vmem>>, %arg7: memref<13312xf32, #tpu.memory_space<vmem>>, %arg8: memref<512xf32, #tpu.memory_space<vmem>>, %arg9: memref<16xf32, #tpu.memory_space<vmem>>, %arg10: memref<!tpu.dma_semaphore, #tpu.memory_space<semaphore_mem>>, %arg11: memref<!tpu.dma_semaphore, #tpu.memory_space<semaphore_mem>>, %arg12: memref<!tpu.dma_semaphore, #tpu.memory_space<semaphore_mem>>, %arg13: memref<!tpu.dma_semaphore, #tpu.memory_space<semaphore_mem>>, %arg14: memref<!tpu.dma_semaphore, #tpu.memory_space<semaphore_mem>>, %arg15: memref<!tpu.dma_semaphore, #tpu.memory_space<semaphore_mem>>) attributes {dimension_semantics = [#tpu.dimension_semantics<core_parallel>, #tpu.dimension_semantics<subcore_parallel>], iteration_bounds = array<i64: 2, 16>, scalar_prefetch = 0 : i64, scratch_operands = 10 : i64, tpu.core_type = #tpu.core_type<sc_vector_subcore>, window_params = [{transform_indices = #map}, {transform_indices = #map}, {transform_indices = #map1}, {transform_indices = #map1}]} {
    %mul3A = arith.constant 2 : i32
    %mul3A_0 = arith.muli %arg1, %mul3A : i32
    %add3A = arith.addi %mul3A_0, %arg0 : i32
    %mul3A_1 = arith.constant 512 : i32
    %mul3A_2 = arith.muli %add3A, %mul3A_1 : i32
    %dma_start3A = arith.constant 0 : i32
    %dma_start3A_3 = tpu.memref_slice %arg9[%dma_start3A] : memref<16xf32, #tpu.memory_space<vmem>> -> memref<1xf32, #tpu.memory_space<vmem>>
    %dma_start3A_4 = arith.constant 0 : i32
    %dma_start3A_5 = tpu.memref_slice %arg9[%dma_start3A_4] : memref<16xf32, #tpu.memory_space<vmem>> -> memref<1xf32, #tpu.memory_space<vmem>>
    tpu.enqueue_dma source(%arg4 : memref<1xf32, #tpu.memory_space<hbm>>) target(%dma_start3A_5 : memref<1xf32, #tpu.memory_space<vmem>>) target_semaphore(%arg15 : memref<!tpu.dma_semaphore, #tpu.memory_space<semaphore_mem>>)
    %dma_start3A_6 = arith.constant 0 : i32
    %dma_start3A_7 = arith.constant 0 : i32
    %dma_start3A_8 = tpu.memref_slice %arg6[%dma_start3A_7] : memref<13312xi32, #tpu.memory_space<vmem>> -> memref<512xi32, #tpu.memory_space<vmem>>
    %dma_start3A_9 = tpu.memref_slice %arg2[%dma_start3A_6, %mul3A_2] : memref<26x16384xi32, #tpu.memory_space<hbm>> -> memref<1x512xi32, #tpu.memory_space<hbm>>
    %dma_start3A_10 = tpu.memref_squeeze %dma_start3A_9 : memref<1x512xi32, #tpu.memory_space<hbm>> -> memref<512xi32, #tpu.memory_space<hbm>>
    %dma_start3A_11 = arith.constant 0 : i32
    %dma_start3A_12 = tpu.memref_slice %arg6[%dma_start3A_11] : memref<13312xi32, #tpu.memory_space<vmem>> -> memref<512xi32, #tpu.memory_space<vmem>>
    %dma_start3A_13 = tpu.memref_slice %arg2[%dma_start3A_6, %mul3A_2] : memref<26x16384xi32, #tpu.memory_space<hbm>> -> memref<1x512xi32, #tpu.memory_space<hbm>>
    %dma_start3A_14 = tpu.memref_squeeze %dma_start3A_13 : memref<1x512xi32, #tpu.memory_space<hbm>> -> memref<512xi32, #tpu.memory_space<hbm>>
    tpu.enqueue_dma source(%dma_start3A_14 : memref<512xi32, #tpu.memory_space<hbm>>) target(%dma_start3A_12 : memref<512xi32, #tpu.memory_space<vmem>>) target_semaphore(%arg10 : memref<!tpu.dma_semaphore, #tpu.memory_space<semaphore_mem>>)
    %dma_start3A_15 = arith.constant 1 : i32
    %dma_start3A_16 = arith.constant 512 : i32
    %dma_start3A_17 = tpu.memref_slice %arg6[%dma_start3A_16] : memref<13312xi32, #tpu.memory_space<vmem>> -> memref<512xi32, #tpu.memory_space<vmem>>
    %dma_start3A_18 = tpu.memref_slice %arg2[%dma_start3A_15, %mul3A_2] : memref<26x16384xi32, #tpu.memory_space<hbm>> -> memref<1x512xi32, #tpu.memory_space<hbm>>
    %dma_start3A_19 = tpu.memref_squeeze %dma_start3A_18 : memref<1x512xi32, #tpu.memory_space<hbm>> -> memref<512xi32, #tpu.memory_space<hbm>>
    %dma_start3A_20 = arith.constant 512 : i32
    %dma_start3A_21 = tpu.memref_slice %arg6[%dma_start3A_20] : memref<13312xi32, #tpu.memory_space<vmem>> -> memref<512xi32, #tpu.memory_space<vmem>>
    %dma_start3A_22 = tpu.memref_slice %arg2[%dma_start3A_15, %mul3A_2] : memref<26x16384xi32, #tpu.memory_space<hbm>> -> memref<1x512xi32, #tpu.memory_space<hbm>>
    %dma_start3A_23 = tpu.memref_squeeze %dma_start3A_22 : memref<1x512xi32, #tpu.memory_space<hbm>> -> memref<512xi32, #tpu.memory_space<hbm>>
    tpu.enqueue_dma source(%dma_start3A_23 : memref<512xi32, #tpu.memory_space<hbm>>) target(%dma_start3A_21 : memref<512xi32, #tpu.memory_space<vmem>>) target_semaphore(%arg10 : memref<!tpu.dma_semaphore, #tpu.memory_space<semaphore_mem>>)
    %dma_start3A_24 = arith.constant 2 : i32
    %dma_start3A_25 = arith.constant 1024 : i32
    %dma_start3A_26 = tpu.memref_slice %arg6[%dma_start3A_25] : memref<13312xi32, #tpu.memory_space<vmem>> -> memref<512xi32, #tpu.memory_space<vmem>>
    %dma_start3A_27 = tpu.memref_slice %arg2[%dma_start3A_24, %mul3A_2] : memref<26x16384xi32, #tpu.memory_space<hbm>> -> memref<1x512xi32, #tpu.memory_space<hbm>>
    %dma_start3A_28 = tpu.memref_squeeze %dma_start3A_27 : memref<1x512xi32, #tpu.memory_space<hbm>> -> memref<512xi32, #tpu.memory_space<hbm>>
    %dma_start3A_29 = arith.constant 1024 : i32
    %dma_start3A_30 = tpu.memref_slice %arg6[%dma_start3A_29] : memref<13312xi32, #tpu.memory_space<vmem>> -> memref<512xi32, #tpu.memory_space<vmem>>
    %dma_start3A_31 = tpu.memref_slice %arg2[%dma_start3A_24, %mul3A_2] : memref<26x16384xi32, #tpu.memory_space<hbm>> -> memref<1x512xi32, #tpu.memory_space<hbm>>
    %dma_start3A_32 = tpu.memref_squeeze %dma_start3A_31 : memref<1x512xi32, #tpu.memory_space<hbm>> -> memref<512xi32, #tpu.memory_space<hbm>>
    tpu.enqueue_dma source(%dma_start3A_32 : memref<512xi32, #tpu.memory_space<hbm>>) target(%dma_start3A_30 : memref<512xi32, #tpu.memory_space<vmem>>) target_semaphore(%arg10 : memref<!tpu.dma_semaphore, #tpu.memory_space<semaphore_mem>>)
    %dma_start3A_33 = arith.constant 3 : i32
    %dma_start3A_34 = arith.constant 1536 : i32
    %dma_start3A_35 = tpu.memref_slice %arg6[%dma_start3A_34] : memref<13312xi32, #tpu.memory_space<vmem>> -> memref<512xi32, #tpu.memory_space<vmem>>
    %dma_start3A_36 = tpu.memref_slice %arg2[%dma_start3A_33, %mul3A_2] : memref<26x16384xi32, #tpu.memory_space<hbm>> -> memref<1x512xi32, #tpu.memory_space<hbm>>
    %dma_start3A_37 = tpu.memref_squeeze %dma_start3A_36 : memref<1x512xi32, #tpu.memory_space<hbm>> -> memref<512xi32, #tpu.memory_space<hbm>>
    %dma_start3A_38 = arith.constant 1536 : i32
    %dma_start3A_39 = tpu.memref_slice %arg6[%dma_start3A_38] : memref<13312xi32, #tpu.memory_space<vmem>> -> memref<512xi32, #tpu.memory_space<vmem>>
    %dma_start3A_40 = tpu.memref_slice %arg2[%dma_start3A_33, %mul3A_2] : memref<26x16384xi32, #tpu.memory_space<hbm>> -> memref<1x512xi32, #tpu.memory_space<hbm>>
    %dma_start3A_41 = tpu.memref_squeeze %dma_start3A_40 : memref<1x512xi32, #tpu.memory_space<hbm>> -> memref<512xi32, #tpu.memory_space<hbm>>
    tpu.enqueue_dma source(%dma_start3A_41 : memref<512xi32, #tpu.memory_space<hbm>>) target(%dma_start3A_39 : memref<512xi32, #tpu.memory_space<vmem>>) target_semaphore(%arg10 : memref<!tpu.dma_semaphore, #tpu.memory_space<semaphore_mem>>)
    %dma_start3A_42 = arith.constant 4 : i32
    %dma_start3A_43 = arith.constant 2048 : i32
    %dma_start3A_44 = tpu.memref_slice %arg6[%dma_start3A_43] : memref<13312xi32, #tpu.memory_space<vmem>> -> memref<512xi32, #tpu.memory_space<vmem>>
    %dma_start3A_45 = tpu.memref_slice %arg2[%dma_start3A_42, %mul3A_2] : memref<26x16384xi32, #tpu.memory_space<hbm>> -> memref<1x512xi32, #tpu.memory_space<hbm>>
    %dma_start3A_46 = tpu.memref_squeeze %dma_start3A_45 : memref<1x512xi32, #tpu.memory_space<hbm>> -> memref<512xi32, #tpu.memory_space<hbm>>
    %dma_start3A_47 = arith.constant 2048 : i32
    %dma_start3A_48 = tpu.memref_slice %arg6[%dma_start3A_47] : memref<13312xi32, #tpu.memory_space<vmem>> -> memref<512xi32, #tpu.memory_space<vmem>>
    %dma_start3A_49 = tpu.memref_slice %arg2[%dma_start3A_42, %mul3A_2] : memref<26x16384xi32, #tpu.memory_space<hbm>> -> memref<1x512xi32, #tpu.memory_space<hbm>>
    %dma_start3A_50 = tpu.memref_squeeze %dma_start3A_49 : memref<1x512xi32, #tpu.memory_space<hbm>> -> memref<512xi32, #tpu.memory_space<hbm>>
    tpu.enqueue_dma source(%dma_start3A_50 : memref<512xi32, #tpu.memory_space<hbm>>) target(%dma_start3A_48 : memref<512xi32, #tpu.memory_space<vmem>>) target_semaphore(%arg10 : memref<!tpu.dma_semaphore, #tpu.memory_space<semaphore_mem>>)
    %dma_start3A_51 = arith.constant 5 : i32
    %dma_start3A_52 = arith.constant 2560 : i32
    %dma_start3A_53 = tpu.memref_slice %arg6[%dma_start3A_52] : memref<13312xi32, #tpu.memory_space<vmem>> -> memref<512xi32, #tpu.memory_space<vmem>>
    %dma_start3A_54 = tpu.memref_slice %arg2[%dma_start3A_51, %mul3A_2] : memref<26x16384xi32, #tpu.memory_space<hbm>> -> memref<1x512xi32, #tpu.memory_space<hbm>>
    %dma_start3A_55 = tpu.memref_squeeze %dma_start3A_54 : memref<1x512xi32, #tpu.memory_space<hbm>> -> memref<512xi32, #tpu.memory_space<hbm>>
    %dma_start3A_56 = arith.constant 2560 : i32
    %dma_start3A_57 = tpu.memref_slice %arg6[%dma_start3A_56] : memref<13312xi32, #tpu.memory_space<vmem>> -> memref<512xi32, #tpu.memory_space<vmem>>
    %dma_start3A_58 = tpu.memref_slice %arg2[%dma_start3A_51, %mul3A_2] : memref<26x16384xi32, #tpu.memory_space<hbm>> -> memref<1x512xi32, #tpu.memory_space<hbm>>
    %dma_start3A_59 = tpu.memref_squeeze %dma_start3A_58 : memref<1x512xi32, #tpu.memory_space<hbm>> -> memref<512xi32, #tpu.memory_space<hbm>>
    tpu.enqueue_dma source(%dma_start3A_59 : memref<512xi32, #tpu.memory_space<hbm>>) target(%dma_start3A_57 : memref<512xi32, #tpu.memory_space<vmem>>) target_semaphore(%arg10 : memref<!tpu.dma_semaphore, #tpu.memory_space<semaphore_mem>>)
    %dma_start3A_60 = arith.constant 6 : i32
    %dma_start3A_61 = arith.constant 3072 : i32
    %dma_start3A_62 = tpu.memref_slice %arg6[%dma_start3A_61] : memref<13312xi32, #tpu.memory_space<vmem>> -> memref<512xi32, #tpu.memory_space<vmem>>
    %dma_start3A_63 = tpu.memref_slice %arg2[%dma_start3A_60, %mul3A_2] : memref<26x16384xi32, #tpu.memory_space<hbm>> -> memref<1x512xi32, #tpu.memory_space<hbm>>
    %dma_start3A_64 = tpu.memref_squeeze %dma_start3A_63 : memref<1x512xi32, #tpu.memory_space<hbm>> -> memref<512xi32, #tpu.memory_space<hbm>>
    %dma_start3A_65 = arith.constant 3072 : i32
    %dma_start3A_66 = tpu.memref_slice %arg6[%dma_start3A_65] : memref<13312xi32, #tpu.memory_space<vmem>> -> memref<512xi32, #tpu.memory_space<vmem>>
    %dma_start3A_67 = tpu.memref_slice %arg2[%dma_start3A_60, %mul3A_2] : memref<26x16384xi32, #tpu.memory_space<hbm>> -> memref<1x512xi32, #tpu.memory_space<hbm>>
    %dma_start3A_68 = tpu.memref_squeeze %dma_start3A_67 : memref<1x512xi32, #tpu.memory_space<hbm>> -> memref<512xi32, #tpu.memory_space<hbm>>
    tpu.enqueue_dma source(%dma_start3A_68 : memref<512xi32, #tpu.memory_space<hbm>>) target(%dma_start3A_66 : memref<512xi32, #tpu.memory_space<vmem>>) target_semaphore(%arg10 : memref<!tpu.dma_semaphore, #tpu.memory_space<semaphore_mem>>)
    %dma_start3A_69 = arith.constant 7 : i32
    %dma_start3A_70 = arith.constant 3584 : i32
    %dma_start3A_71 = tpu.memref_slice %arg6[%dma_start3A_70] : memref<13312xi32, #tpu.memory_space<vmem>> -> memref<512xi32, #tpu.memory_space<vmem>>
    %dma_start3A_72 = tpu.memref_slice %arg2[%dma_start3A_69, %mul3A_2] : memref<26x16384xi32, #tpu.memory_space<hbm>> -> memref<1x512xi32, #tpu.memory_space<hbm>>
    %dma_start3A_73 = tpu.memref_squeeze %dma_start3A_72 : memref<1x512xi32, #tpu.memory_space<hbm>> -> memref<512xi32, #tpu.memory_space<hbm>>
    %dma_start3A_74 = arith.constant 3584 : i32
    %dma_start3A_75 = tpu.memref_slice %arg6[%dma_start3A_74] : memref<13312xi32, #tpu.memory_space<vmem>> -> memref<512xi32, #tpu.memory_space<vmem>>
    %dma_start3A_76 = tpu.memref_slice %arg2[%dma_start3A_69, %mul3A_2] : memref<26x16384xi32, #tpu.memory_space<hbm>> -> memref<1x512xi32, #tpu.memory_space<hbm>>
    %dma_start3A_77 = tpu.memref_squeeze %dma_start3A_76 : memref<1x512xi32, #tpu.memory_space<hbm>> -> memref<512xi32, #tpu.memory_space<hbm>>
    tpu.enqueue_dma source(%dma_start3A_77 : memref<512xi32, #tpu.memory_space<hbm>>) target(%dma_start3A_75 : memref<512xi32, #tpu.memory_space<vmem>>) target_semaphore(%arg10 : memref<!tpu.dma_semaphore, #tpu.memory_space<semaphore_mem>>)
    %dma_start3A_78 = arith.constant 8 : i32
    %dma_start3A_79 = arith.constant 4096 : i32
    %dma_start3A_80 = tpu.memref_slice %arg6[%dma_start3A_79] : memref<13312xi32, #tpu.memory_space<vmem>> -> memref<512xi32, #tpu.memory_space<vmem>>
    %dma_start3A_81 = tpu.memref_slice %arg2[%dma_start3A_78, %mul3A_2] : memref<26x16384xi32, #tpu.memory_space<hbm>> -> memref<1x512xi32, #tpu.memory_space<hbm>>
    %dma_start3A_82 = tpu.memref_squeeze %dma_start3A_81 : memref<1x512xi32, #tpu.memory_space<hbm>> -> memref<512xi32, #tpu.memory_space<hbm>>
    %dma_start3A_83 = arith.constant 4096 : i32
    %dma_start3A_84 = tpu.memref_slice %arg6[%dma_start3A_83] : memref<13312xi32, #tpu.memory_space<vmem>> -> memref<512xi32, #tpu.memory_space<vmem>>
    %dma_start3A_85 = tpu.memref_slice %arg2[%dma_start3A_78, %mul3A_2] : memref<26x16384xi32, #tpu.memory_space<hbm>> -> memref<1x512xi32, #tpu.memory_space<hbm>>
    %dma_start3A_86 = tpu.memref_squeeze %dma_start3A_85 : memref<1x512xi32, #tpu.memory_space<hbm>> -> memref<512xi32, #tpu.memory_space<hbm>>
    tpu.enqueue_dma source(%dma_start3A_86 : memref<512xi32, #tpu.memory_space<hbm>>) target(%dma_start3A_84 : memref<512xi32, #tpu.memory_space<vmem>>) target_semaphore(%arg10 : memref<!tpu.dma_semaphore, #tpu.memory_space<semaphore_mem>>)
    %dma_start3A_87 = arith.constant 9 : i32
    %dma_start3A_88 = arith.constant 4608 : i32
    %dma_start3A_89 = tpu.memref_slice %arg6[%dma_start3A_88] : memref<13312xi32, #tpu.memory_space<vmem>> -> memref<512xi32, #tpu.memory_space<vmem>>
    %dma_start3A_90 = tpu.memref_slice %arg2[%dma_start3A_87, %mul3A_2] : memref<26x16384xi32, #tpu.memory_space<hbm>> -> memref<1x512xi32, #tpu.memory_space<hbm>>
    %dma_start3A_91 = tpu.memref_squeeze %dma_start3A_90 : memref<1x512xi32, #tpu.memory_space<hbm>> -> memref<512xi32, #tpu.memory_space<hbm>>
    %dma_start3A_92 = arith.constant 4608 : i32
    %dma_start3A_93 = tpu.memref_slice %arg6[%dma_start3A_92] : memref<13312xi32, #tpu.memory_space<vmem>> -> memref<512xi32, #tpu.memory_space<vmem>>
    %dma_start3A_94 = tpu.memref_slice %arg2[%dma_start3A_87, %mul3A_2] : memref<26x16384xi32, #tpu.memory_space<hbm>> -> memref<1x512xi32, #tpu.memory_space<hbm>>
    %dma_start3A_95 = tpu.memref_squeeze %dma_start3A_94 : memref<1x512xi32, #tpu.memory_space<hbm>> -> memref<512xi32, #tpu.memory_space<hbm>>
    tpu.enqueue_dma source(%dma_start3A_95 : memref<512xi32, #tpu.memory_space<hbm>>) target(%dma_start3A_93 : memref<512xi32, #tpu.memory_space<vmem>>) target_semaphore(%arg10 : memref<!tpu.dma_semaphore, #tpu.memory_space<semaphore_mem>>)
    %dma_start3A_96 = arith.constant 10 : i32
    %dma_start3A_97 = arith.constant 5120 : i32
    %dma_start3A_98 = tpu.memref_slice %arg6[%dma_start3A_97] : memref<13312xi32, #tpu.memory_space<vmem>> -> memref<512xi32, #tpu.memory_space<vmem>>
    %dma_start3A_99 = tpu.memref_slice %arg2[%dma_start3A_96, %mul3A_2] : memref<26x16384xi32, #tpu.memory_space<hbm>> -> memref<1x512xi32, #tpu.memory_space<hbm>>
    %dma_start3A_100 = tpu.memref_squeeze %dma_start3A_99 : memref<1x512xi32, #tpu.memory_space<hbm>> -> memref<512xi32, #tpu.memory_space<hbm>>
    %dma_start3A_101 = arith.constant 5120 : i32
    %dma_start3A_102 = tpu.memref_slice %arg6[%dma_start3A_101] : memref<13312xi32, #tpu.memory_space<vmem>> -> memref<512xi32, #tpu.memory_space<vmem>>
    %dma_start3A_103 = tpu.memref_slice %arg2[%dma_start3A_96, %mul3A_2] : memref<26x16384xi32, #tpu.memory_space<hbm>> -> memref<1x512xi32, #tpu.memory_space<hbm>>
    %dma_start3A_104 = tpu.memref_squeeze %dma_start3A_103 : memref<1x512xi32, #tpu.memory_space<hbm>> -> memref<512xi32, #tpu.memory_space<hbm>>
    tpu.enqueue_dma source(%dma_start3A_104 : memref<512xi32, #tpu.memory_space<hbm>>) target(%dma_start3A_102 : memref<512xi32, #tpu.memory_space<vmem>>) target_semaphore(%arg10 : memref<!tpu.dma_semaphore, #tpu.memory_space<semaphore_mem>>)
    %dma_start3A_105 = arith.constant 11 : i32
    %dma_start3A_106 = arith.constant 5632 : i32
    %dma_start3A_107 = tpu.memref_slice %arg6[%dma_start3A_106] : memref<13312xi32, #tpu.memory_space<vmem>> -> memref<512xi32, #tpu.memory_space<vmem>>
    %dma_start3A_108 = tpu.memref_slice %arg2[%dma_start3A_105, %mul3A_2] : memref<26x16384xi32, #tpu.memory_space<hbm>> -> memref<1x512xi32, #tpu.memory_space<hbm>>
    %dma_start3A_109 = tpu.memref_squeeze %dma_start3A_108 : memref<1x512xi32, #tpu.memory_space<hbm>> -> memref<512xi32, #tpu.memory_space<hbm>>
    %dma_start3A_110 = arith.constant 5632 : i32
    %dma_start3A_111 = tpu.memref_slice %arg6[%dma_start3A_110] : memref<13312xi32, #tpu.memory_space<vmem>> -> memref<512xi32, #tpu.memory_space<vmem>>
    %dma_start3A_112 = tpu.memref_slice %arg2[%dma_start3A_105, %mul3A_2] : memref<26x16384xi32, #tpu.memory_space<hbm>> -> memref<1x512xi32, #tpu.memory_space<hbm>>
    %dma_start3A_113 = tpu.memref_squeeze %dma_start3A_112 : memref<1x512xi32, #tpu.memory_space<hbm>> -> memref<512xi32, #tpu.memory_space<hbm>>
    tpu.enqueue_dma source(%dma_start3A_113 : memref<512xi32, #tpu.memory_space<hbm>>) target(%dma_start3A_111 : memref<512xi32, #tpu.memory_space<vmem>>) target_semaphore(%arg10 : memref<!tpu.dma_semaphore, #tpu.memory_space<semaphore_mem>>)
    %dma_start3A_114 = arith.constant 12 : i32
    %dma_start3A_115 = arith.constant 6144 : i32
    %dma_start3A_116 = tpu.memref_slice %arg6[%dma_start3A_115] : memref<13312xi32, #tpu.memory_space<vmem>> -> memref<512xi32, #tpu.memory_space<vmem>>
    %dma_start3A_117 = tpu.memref_slice %arg2[%dma_start3A_114, %mul3A_2] : memref<26x16384xi32, #tpu.memory_space<hbm>> -> memref<1x512xi32, #tpu.memory_space<hbm>>
    %dma_start3A_118 = tpu.memref_squeeze %dma_start3A_117 : memref<1x512xi32, #tpu.memory_space<hbm>> -> memref<512xi32, #tpu.memory_space<hbm>>
    %dma_start3A_119 = arith.constant 6144 : i32
    %dma_start3A_120 = tpu.memref_slice %arg6[%dma_start3A_119] : memref<13312xi32, #tpu.memory_space<vmem>> -> memref<512xi32, #tpu.memory_space<vmem>>
    %dma_start3A_121 = tpu.memref_slice %arg2[%dma_start3A_114, %mul3A_2] : memref<26x16384xi32, #tpu.memory_space<hbm>> -> memref<1x512xi32, #tpu.memory_space<hbm>>
    %dma_start3A_122 = tpu.memref_squeeze %dma_start3A_121 : memref<1x512xi32, #tpu.memory_space<hbm>> -> memref<512xi32, #tpu.memory_space<hbm>>
    tpu.enqueue_dma source(%dma_start3A_122 : memref<512xi32, #tpu.memory_space<hbm>>) target(%dma_start3A_120 : memref<512xi32, #tpu.memory_space<vmem>>) target_semaphore(%arg10 : memref<!tpu.dma_semaphore, #tpu.memory_space<semaphore_mem>>)
    %dma_start3A_123 = arith.constant 13 : i32
    %dma_start3A_124 = arith.constant 6656 : i32
    %dma_start3A_125 = tpu.memref_slice %arg6[%dma_start3A_124] : memref<13312xi32, #tpu.memory_space<vmem>> -> memref<512xi32, #tpu.memory_space<vmem>>
    %dma_start3A_126 = tpu.memref_slice %arg2[%dma_start3A_123, %mul3A_2] : memref<26x16384xi32, #tpu.memory_space<hbm>> -> memref<1x512xi32, #tpu.memory_space<hbm>>
    %dma_start3A_127 = tpu.memref_squeeze %dma_start3A_126 : memref<1x512xi32, #tpu.memory_space<hbm>> -> memref<512xi32, #tpu.memory_space<hbm>>
    %dma_start3A_128 = arith.constant 6656 : i32
    %dma_start3A_129 = tpu.memref_slice %arg6[%dma_start3A_128] : memref<13312xi32, #tpu.memory_space<vmem>> -> memref<512xi32, #tpu.memory_space<vmem>>
    %dma_start3A_130 = tpu.memref_slice %arg2[%dma_start3A_123, %mul3A_2] : memref<26x16384xi32, #tpu.memory_space<hbm>> -> memref<1x512xi32, #tpu.memory_space<hbm>>
    %dma_start3A_131 = tpu.memref_squeeze %dma_start3A_130 : memref<1x512xi32, #tpu.memory_space<hbm>> -> memref<512xi32, #tpu.memory_space<hbm>>
    tpu.enqueue_dma source(%dma_start3A_131 : memref<512xi32, #tpu.memory_space<hbm>>) target(%dma_start3A_129 : memref<512xi32, #tpu.memory_space<vmem>>) target_semaphore(%arg10 : memref<!tpu.dma_semaphore, #tpu.memory_space<semaphore_mem>>)
    %dma_start3A_132 = arith.constant 14 : i32
    %dma_start3A_133 = arith.constant 7168 : i32
    %dma_start3A_134 = tpu.memref_slice %arg6[%dma_start3A_133] : memref<13312xi32, #tpu.memory_space<vmem>> -> memref<512xi32, #tpu.memory_space<vmem>>
    %dma_start3A_135 = tpu.memref_slice %arg2[%dma_start3A_132, %mul3A_2] : memref<26x16384xi32, #tpu.memory_space<hbm>> -> memref<1x512xi32, #tpu.memory_space<hbm>>
    %dma_start3A_136 = tpu.memref_squeeze %dma_start3A_135 : memref<1x512xi32, #tpu.memory_space<hbm>> -> memref<512xi32, #tpu.memory_space<hbm>>
    %dma_start3A_137 = arith.constant 7168 : i32
    %dma_start3A_138 = tpu.memref_slice %arg6[%dma_start3A_137] : memref<13312xi32, #tpu.memory_space<vmem>> -> memref<512xi32, #tpu.memory_space<vmem>>
    %dma_start3A_139 = tpu.memref_slice %arg2[%dma_start3A_132, %mul3A_2] : memref<26x16384xi32, #tpu.memory_space<hbm>> -> memref<1x512xi32, #tpu.memory_space<hbm>>
    %dma_start3A_140 = tpu.memref_squeeze %dma_start3A_139 : memref<1x512xi32, #tpu.memory_space<hbm>> -> memref<512xi32, #tpu.memory_space<hbm>>
    tpu.enqueue_dma source(%dma_start3A_140 : memref<512xi32, #tpu.memory_space<hbm>>) target(%dma_start3A_138 : memref<512xi32, #tpu.memory_space<vmem>>) target_semaphore(%arg10 : memref<!tpu.dma_semaphore, #tpu.memory_space<semaphore_mem>>)
    %dma_start3A_141 = arith.constant 15 : i32
    %dma_start3A_142 = arith.constant 7680 : i32
    %dma_start3A_143 = tpu.memref_slice %arg6[%dma_start3A_142] : memref<13312xi32, #tpu.memory_space<vmem>> -> memref<512xi32, #tpu.memory_space<vmem>>
    %dma_start3A_144 = tpu.memref_slice %arg2[%dma_start3A_141, %mul3A_2] : memref<26x16384xi32, #tpu.memory_space<hbm>> -> memref<1x512xi32, #tpu.memory_space<hbm>>
    %dma_start3A_145 = tpu.memref_squeeze %dma_start3A_144 : memref<1x512xi32, #tpu.memory_space<hbm>> -> memref<512xi32, #tpu.memory_space<hbm>>
    %dma_start3A_146 = arith.constant 7680 : i32
    %dma_start3A_147 = tpu.memref_slice %arg6[%dma_start3A_146] : memref<13312xi32, #tpu.memory_space<vmem>> -> memref<512xi32, #tpu.memory_space<vmem>>
    %dma_start3A_148 = tpu.memref_slice %arg2[%dma_start3A_141, %mul3A_2] : memref<26x16384xi32, #tpu.memory_space<hbm>> -> memref<1x512xi32, #tpu.memory_space<hbm>>
    %dma_start3A_149 = tpu.memref_squeeze %dma_start3A_148 : memref<1x512xi32, #tpu.memory_space<hbm>> -> memref<512xi32, #tpu.memory_space<hbm>>
    tpu.enqueue_dma source(%dma_start3A_149 : memref<512xi32, #tpu.memory_space<hbm>>) target(%dma_start3A_147 : memref<512xi32, #tpu.memory_space<vmem>>) target_semaphore(%arg10 : memref<!tpu.dma_semaphore, #tpu.memory_space<semaphore_mem>>)
    %dma_start3A_150 = arith.constant 16 : i32
    %dma_start3A_151 = arith.constant 8192 : i32
    %dma_start3A_152 = tpu.memref_slice %arg6[%dma_start3A_151] : memref<13312xi32, #tpu.memory_space<vmem>> -> memref<512xi32, #tpu.memory_space<vmem>>
    %dma_start3A_153 = tpu.memref_slice %arg2[%dma_start3A_150, %mul3A_2] : memref<26x16384xi32, #tpu.memory_space<hbm>> -> memref<1x512xi32, #tpu.memory_space<hbm>>
    %dma_start3A_154 = tpu.memref_squeeze %dma_start3A_153 : memref<1x512xi32, #tpu.memory_space<hbm>> -> memref<512xi32, #tpu.memory_space<hbm>>
    %dma_start3A_155 = arith.constant 8192 : i32
    %dma_start3A_156 = tpu.memref_slice %arg6[%dma_start3A_155] : memref<13312xi32, #tpu.memory_space<vmem>> -> memref<512xi32, #tpu.memory_space<vmem>>
    %dma_start3A_157 = tpu.memref_slice %arg2[%dma_start3A_150, %mul3A_2] : memref<26x16384xi32, #tpu.memory_space<hbm>> -> memref<1x512xi32, #tpu.memory_space<hbm>>
    %dma_start3A_158 = tpu.memref_squeeze %dma_start3A_157 : memref<1x512xi32, #tpu.memory_space<hbm>> -> memref<512xi32, #tpu.memory_space<hbm>>
    tpu.enqueue_dma source(%dma_start3A_158 : memref<512xi32, #tpu.memory_space<hbm>>) target(%dma_start3A_156 : memref<512xi32, #tpu.memory_space<vmem>>) target_semaphore(%arg10 : memref<!tpu.dma_semaphore, #tpu.memory_space<semaphore_mem>>)
    %dma_start3A_159 = arith.constant 17 : i32
    %dma_start3A_160 = arith.constant 8704 : i32
    %dma_start3A_161 = tpu.memref_slice %arg6[%dma_start3A_160] : memref<13312xi32, #tpu.memory_space<vmem>> -> memref<512xi32, #tpu.memory_space<vmem>>
    %dma_start3A_162 = tpu.memref_slice %arg2[%dma_start3A_159, %mul3A_2] : memref<26x16384xi32, #tpu.memory_space<hbm>> -> memref<1x512xi32, #tpu.memory_space<hbm>>
    %dma_start3A_163 = tpu.memref_squeeze %dma_start3A_162 : memref<1x512xi32, #tpu.memory_space<hbm>> -> memref<512xi32, #tpu.memory_space<hbm>>
    %dma_start3A_164 = arith.constant 8704 : i32
    %dma_start3A_165 = tpu.memref_slice %arg6[%dma_start3A_164] : memref<13312xi32, #tpu.memory_space<vmem>> -> memref<512xi32, #tpu.memory_space<vmem>>
    %dma_start3A_166 = tpu.memref_slice %arg2[%dma_start3A_159, %mul3A_2] : memref<26x16384xi32, #tpu.memory_space<hbm>> -> memref<1x512xi32, #tpu.memory_space<hbm>>
    %dma_start3A_167 = tpu.memref_squeeze %dma_start3A_166 : memref<1x512xi32, #tpu.memory_space<hbm>> -> memref<512xi32, #tpu.memory_space<hbm>>
    tpu.enqueue_dma source(%dma_start3A_167 : memref<512xi32, #tpu.memory_space<hbm>>) target(%dma_start3A_165 : memref<512xi32, #tpu.memory_space<vmem>>) target_semaphore(%arg10 : memref<!tpu.dma_semaphore, #tpu.memory_space<semaphore_mem>>)
    %dma_start3A_168 = arith.constant 18 : i32
    %dma_start3A_169 = arith.constant 9216 : i32
    %dma_start3A_170 = tpu.memref_slice %arg6[%dma_start3A_169] : memref<13312xi32, #tpu.memory_space<vmem>> -> memref<512xi32, #tpu.memory_space<vmem>>
    %dma_start3A_171 = tpu.memref_slice %arg2[%dma_start3A_168, %mul3A_2] : memref<26x16384xi32, #tpu.memory_space<hbm>> -> memref<1x512xi32, #tpu.memory_space<hbm>>
    %dma_start3A_172 = tpu.memref_squeeze %dma_start3A_171 : memref<1x512xi32, #tpu.memory_space<hbm>> -> memref<512xi32, #tpu.memory_space<hbm>>
    %dma_start3A_173 = arith.constant 9216 : i32
    %dma_start3A_174 = tpu.memref_slice %arg6[%dma_start3A_173] : memref<13312xi32, #tpu.memory_space<vmem>> -> memref<512xi32, #tpu.memory_space<vmem>>
    %dma_start3A_175 = tpu.memref_slice %arg2[%dma_start3A_168, %mul3A_2] : memref<26x16384xi32, #tpu.memory_space<hbm>> -> memref<1x512xi32, #tpu.memory_space<hbm>>
    %dma_start3A_176 = tpu.memref_squeeze %dma_start3A_175 : memref<1x512xi32, #tpu.memory_space<hbm>> -> memref<512xi32, #tpu.memory_space<hbm>>
    tpu.enqueue_dma source(%dma_start3A_176 : memref<512xi32, #tpu.memory_space<hbm>>) target(%dma_start3A_174 : memref<512xi32, #tpu.memory_space<vmem>>) target_semaphore(%arg10 : memref<!tpu.dma_semaphore, #tpu.memory_space<semaphore_mem>>)
    %dma_start3A_177 = arith.constant 19 : i32
    %dma_start3A_178 = arith.constant 9728 : i32
    %dma_start3A_179 = tpu.memref_slice %arg6[%dma_start3A_178] : memref<13312xi32, #tpu.memory_space<vmem>> -> memref<512xi32, #tpu.memory_space<vmem>>
    %dma_start3A_180 = tpu.memref_slice %arg2[%dma_start3A_177, %mul3A_2] : memref<26x16384xi32, #tpu.memory_space<hbm>> -> memref<1x512xi32, #tpu.memory_space<hbm>>
    %dma_start3A_181 = tpu.memref_squeeze %dma_start3A_180 : memref<1x512xi32, #tpu.memory_space<hbm>> -> memref<512xi32, #tpu.memory_space<hbm>>
    %dma_start3A_182 = arith.constant 9728 : i32
    %dma_start3A_183 = tpu.memref_slice %arg6[%dma_start3A_182] : memref<13312xi32, #tpu.memory_space<vmem>> -> memref<512xi32, #tpu.memory_space<vmem>>
    %dma_start3A_184 = tpu.memref_slice %arg2[%dma_start3A_177, %mul3A_2] : memref<26x16384xi32, #tpu.memory_space<hbm>> -> memref<1x512xi32, #tpu.memory_space<hbm>>
    %dma_start3A_185 = tpu.memref_squeeze %dma_start3A_184 : memref<1x512xi32, #tpu.memory_space<hbm>> -> memref<512xi32, #tpu.memory_space<hbm>>
    tpu.enqueue_dma source(%dma_start3A_185 : memref<512xi32, #tpu.memory_space<hbm>>) target(%dma_start3A_183 : memref<512xi32, #tpu.memory_space<vmem>>) target_semaphore(%arg10 : memref<!tpu.dma_semaphore, #tpu.memory_space<semaphore_mem>>)
    %dma_start3A_186 = arith.constant 20 : i32
    %dma_start3A_187 = arith.constant 10240 : i32
    %dma_start3A_188 = tpu.memref_slice %arg6[%dma_start3A_187] : memref<13312xi32, #tpu.memory_space<vmem>> -> memref<512xi32, #tpu.memory_space<vmem>>
    %dma_start3A_189 = tpu.memref_slice %arg2[%dma_start3A_186, %mul3A_2] : memref<26x16384xi32, #tpu.memory_space<hbm>> -> memref<1x512xi32, #tpu.memory_space<hbm>>
    %dma_start3A_190 = tpu.memref_squeeze %dma_start3A_189 : memref<1x512xi32, #tpu.memory_space<hbm>> -> memref<512xi32, #tpu.memory_space<hbm>>
    %dma_start3A_191 = arith.constant 10240 : i32
    %dma_start3A_192 = tpu.memref_slice %arg6[%dma_start3A_191] : memref<13312xi32, #tpu.memory_space<vmem>> -> memref<512xi32, #tpu.memory_space<vmem>>
    %dma_start3A_193 = tpu.memref_slice %arg2[%dma_start3A_186, %mul3A_2] : memref<26x16384xi32, #tpu.memory_space<hbm>> -> memref<1x512xi32, #tpu.memory_space<hbm>>
    %dma_start3A_194 = tpu.memref_squeeze %dma_start3A_193 : memref<1x512xi32, #tpu.memory_space<hbm>> -> memref<512xi32, #tpu.memory_space<hbm>>
    tpu.enqueue_dma source(%dma_start3A_194 : memref<512xi32, #tpu.memory_space<hbm>>) target(%dma_start3A_192 : memref<512xi32, #tpu.memory_space<vmem>>) target_semaphore(%arg10 : memref<!tpu.dma_semaphore, #tpu.memory_space<semaphore_mem>>)
    %dma_start3A_195 = arith.constant 21 : i32
    %dma_start3A_196 = arith.constant 10752 : i32
    %dma_start3A_197 = tpu.memref_slice %arg6[%dma_start3A_196] : memref<13312xi32, #tpu.memory_space<vmem>> -> memref<512xi32, #tpu.memory_space<vmem>>
    %dma_start3A_198 = tpu.memref_slice %arg2[%dma_start3A_195, %mul3A_2] : memref<26x16384xi32, #tpu.memory_space<hbm>> -> memref<1x512xi32, #tpu.memory_space<hbm>>
    %dma_start3A_199 = tpu.memref_squeeze %dma_start3A_198 : memref<1x512xi32, #tpu.memory_space<hbm>> -> memref<512xi32, #tpu.memory_space<hbm>>
    %dma_start3A_200 = arith.constant 10752 : i32
    %dma_start3A_201 = tpu.memref_slice %arg6[%dma_start3A_200] : memref<13312xi32, #tpu.memory_space<vmem>> -> memref<512xi32, #tpu.memory_space<vmem>>
    %dma_start3A_202 = tpu.memref_slice %arg2[%dma_start3A_195, %mul3A_2] : memref<26x16384xi32, #tpu.memory_space<hbm>> -> memref<1x512xi32, #tpu.memory_space<hbm>>
    %dma_start3A_203 = tpu.memref_squeeze %dma_start3A_202 : memref<1x512xi32, #tpu.memory_space<hbm>> -> memref<512xi32, #tpu.memory_space<hbm>>
    tpu.enqueue_dma source(%dma_start3A_203 : memref<512xi32, #tpu.memory_space<hbm>>) target(%dma_start3A_201 : memref<512xi32, #tpu.memory_space<vmem>>) target_semaphore(%arg10 : memref<!tpu.dma_semaphore, #tpu.memory_space<semaphore_mem>>)
    %dma_start3A_204 = arith.constant 22 : i32
    %dma_start3A_205 = arith.constant 11264 : i32
    %dma_start3A_206 = tpu.memref_slice %arg6[%dma_start3A_205] : memref<13312xi32, #tpu.memory_space<vmem>> -> memref<512xi32, #tpu.memory_space<vmem>>
    %dma_start3A_207 = tpu.memref_slice %arg2[%dma_start3A_204, %mul3A_2] : memref<26x16384xi32, #tpu.memory_space<hbm>> -> memref<1x512xi32, #tpu.memory_space<hbm>>
    %dma_start3A_208 = tpu.memref_squeeze %dma_start3A_207 : memref<1x512xi32, #tpu.memory_space<hbm>> -> memref<512xi32, #tpu.memory_space<hbm>>
    %dma_start3A_209 = arith.constant 11264 : i32
    %dma_start3A_210 = tpu.memref_slice %arg6[%dma_start3A_209] : memref<13312xi32, #tpu.memory_space<vmem>> -> memref<512xi32, #tpu.memory_space<vmem>>
    %dma_start3A_211 = tpu.memref_slice %arg2[%dma_start3A_204, %mul3A_2] : memref<26x16384xi32, #tpu.memory_space<hbm>> -> memref<1x512xi32, #tpu.memory_space<hbm>>
    %dma_start3A_212 = tpu.memref_squeeze %dma_start3A_211 : memref<1x512xi32, #tpu.memory_space<hbm>> -> memref<512xi32, #tpu.memory_space<hbm>>
    tpu.enqueue_dma source(%dma_start3A_212 : memref<512xi32, #tpu.memory_space<hbm>>) target(%dma_start3A_210 : memref<512xi32, #tpu.memory_space<vmem>>) target_semaphore(%arg10 : memref<!tpu.dma_semaphore, #tpu.memory_space<semaphore_mem>>)
    %dma_start3A_213 = arith.constant 23 : i32
    %dma_start3A_214 = arith.constant 11776 : i32
    %dma_start3A_215 = tpu.memref_slice %arg6[%dma_start3A_214] : memref<13312xi32, #tpu.memory_space<vmem>> -> memref<512xi32, #tpu.memory_space<vmem>>
    %dma_start3A_216 = tpu.memref_slice %arg2[%dma_start3A_213, %mul3A_2] : memref<26x16384xi32, #tpu.memory_space<hbm>> -> memref<1x512xi32, #tpu.memory_space<hbm>>
    %dma_start3A_217 = tpu.memref_squeeze %dma_start3A_216 : memref<1x512xi32, #tpu.memory_space<hbm>> -> memref<512xi32, #tpu.memory_space<hbm>>
    %dma_start3A_218 = arith.constant 11776 : i32
    %dma_start3A_219 = tpu.memref_slice %arg6[%dma_start3A_218] : memref<13312xi32, #tpu.memory_space<vmem>> -> memref<512xi32, #tpu.memory_space<vmem>>
    %dma_start3A_220 = tpu.memref_slice %arg2[%dma_start3A_213, %mul3A_2] : memref<26x16384xi32, #tpu.memory_space<hbm>> -> memref<1x512xi32, #tpu.memory_space<hbm>>
    %dma_start3A_221 = tpu.memref_squeeze %dma_start3A_220 : memref<1x512xi32, #tpu.memory_space<hbm>> -> memref<512xi32, #tpu.memory_space<hbm>>
    tpu.enqueue_dma source(%dma_start3A_221 : memref<512xi32, #tpu.memory_space<hbm>>) target(%dma_start3A_219 : memref<512xi32, #tpu.memory_space<vmem>>) target_semaphore(%arg10 : memref<!tpu.dma_semaphore, #tpu.memory_space<semaphore_mem>>)
    %dma_start3A_222 = arith.constant 24 : i32
    %dma_start3A_223 = arith.constant 12288 : i32
    %dma_start3A_224 = tpu.memref_slice %arg6[%dma_start3A_223] : memref<13312xi32, #tpu.memory_space<vmem>> -> memref<512xi32, #tpu.memory_space<vmem>>
    %dma_start3A_225 = tpu.memref_slice %arg2[%dma_start3A_222, %mul3A_2] : memref<26x16384xi32, #tpu.memory_space<hbm>> -> memref<1x512xi32, #tpu.memory_space<hbm>>
    %dma_start3A_226 = tpu.memref_squeeze %dma_start3A_225 : memref<1x512xi32, #tpu.memory_space<hbm>> -> memref<512xi32, #tpu.memory_space<hbm>>
    %dma_start3A_227 = arith.constant 12288 : i32
    %dma_start3A_228 = tpu.memref_slice %arg6[%dma_start3A_227] : memref<13312xi32, #tpu.memory_space<vmem>> -> memref<512xi32, #tpu.memory_space<vmem>>
    %dma_start3A_229 = tpu.memref_slice %arg2[%dma_start3A_222, %mul3A_2] : memref<26x16384xi32, #tpu.memory_space<hbm>> -> memref<1x512xi32, #tpu.memory_space<hbm>>
    %dma_start3A_230 = tpu.memref_squeeze %dma_start3A_229 : memref<1x512xi32, #tpu.memory_space<hbm>> -> memref<512xi32, #tpu.memory_space<hbm>>
    tpu.enqueue_dma source(%dma_start3A_230 : memref<512xi32, #tpu.memory_space<hbm>>) target(%dma_start3A_228 : memref<512xi32, #tpu.memory_space<vmem>>) target_semaphore(%arg10 : memref<!tpu.dma_semaphore, #tpu.memory_space<semaphore_mem>>)
    %dma_start3A_231 = arith.constant 25 : i32
    %dma_start3A_232 = arith.constant 12800 : i32
    %dma_start3A_233 = tpu.memref_slice %arg6[%dma_start3A_232] : memref<13312xi32, #tpu.memory_space<vmem>> -> memref<512xi32, #tpu.memory_space<vmem>>
    %dma_start3A_234 = tpu.memref_slice %arg2[%dma_start3A_231, %mul3A_2] : memref<26x16384xi32, #tpu.memory_space<hbm>> -> memref<1x512xi32, #tpu.memory_space<hbm>>
    %dma_start3A_235 = tpu.memref_squeeze %dma_start3A_234 : memref<1x512xi32, #tpu.memory_space<hbm>> -> memref<512xi32, #tpu.memory_space<hbm>>
    %dma_start3A_236 = arith.constant 12800 : i32
    %dma_start3A_237 = tpu.memref_slice %arg6[%dma_start3A_236] : memref<13312xi32, #tpu.memory_space<vmem>> -> memref<512xi32, #tpu.memory_space<vmem>>
    %dma_start3A_238 = tpu.memref_slice %arg2[%dma_start3A_231, %mul3A_2] : memref<26x16384xi32, #tpu.memory_space<hbm>> -> memref<1x512xi32, #tpu.memory_space<hbm>>
    %dma_start3A_239 = tpu.memref_squeeze %dma_start3A_238 : memref<1x512xi32, #tpu.memory_space<hbm>> -> memref<512xi32, #tpu.memory_space<hbm>>
    tpu.enqueue_dma source(%dma_start3A_239 : memref<512xi32, #tpu.memory_space<hbm>>) target(%dma_start3A_237 : memref<512xi32, #tpu.memory_space<vmem>>) target_semaphore(%arg10 : memref<!tpu.dma_semaphore, #tpu.memory_space<semaphore_mem>>)
    %dma_wait3A = arith.constant 0 : i32
    %dma_wait3A_240 = arith.constant 0 : i32
    %dma_wait3A_241 = tpu.memref_slice %arg6[%dma_wait3A_240] : memref<13312xi32, #tpu.memory_space<vmem>> -> memref<512xi32, #tpu.memory_space<vmem>>
    %dma_wait3A_242 = tpu.memref_slice %arg2[%dma_wait3A, %mul3A_2] : memref<26x16384xi32, #tpu.memory_space<hbm>> -> memref<1x512xi32, #tpu.memory_space<hbm>>
    %dma_wait3A_243 = tpu.memref_squeeze %dma_wait3A_242 : memref<1x512xi32, #tpu.memory_space<hbm>> -> memref<512xi32, #tpu.memory_space<hbm>>
    %dma_wait3A_244 = arith.constant 0 : i32
    %dma_wait3A_245 = tpu.memref_slice %arg6[%dma_wait3A_244] : memref<13312xi32, #tpu.memory_space<vmem>> -> memref<512xi32, #tpu.memory_space<vmem>>
    %dma_wait3A_246 = tpu.memref_slice %arg2[%dma_wait3A, %mul3A_2] : memref<26x16384xi32, #tpu.memory_space<hbm>> -> memref<1x512xi32, #tpu.memory_space<hbm>>
    %dma_wait3A_247 = tpu.memref_squeeze %dma_wait3A_246 : memref<1x512xi32, #tpu.memory_space<hbm>> -> memref<512xi32, #tpu.memory_space<hbm>>
    tpu.wait_dma2 semaphore(%arg10 : memref<!tpu.dma_semaphore, #tpu.memory_space<semaphore_mem>>) src(%dma_wait3A_247 : memref<512xi32, #tpu.memory_space<hbm>>) dst(%dma_wait3A_245 : memref<512xi32, #tpu.memory_space<vmem>>)
    %dma_wait3A_248 = arith.constant 1 : i32
    %dma_wait3A_249 = arith.constant 512 : i32
    %dma_wait3A_250 = tpu.memref_slice %arg6[%dma_wait3A_249] : memref<13312xi32, #tpu.memory_space<vmem>> -> memref<512xi32, #tpu.memory_space<vmem>>
    %dma_wait3A_251 = tpu.memref_slice %arg2[%dma_wait3A_248, %mul3A_2] : memref<26x16384xi32, #tpu.memory_space<hbm>> -> memref<1x512xi32, #tpu.memory_space<hbm>>
    %dma_wait3A_252 = tpu.memref_squeeze %dma_wait3A_251 : memref<1x512xi32, #tpu.memory_space<hbm>> -> memref<512xi32, #tpu.memory_space<hbm>>
    %dma_wait3A_253 = arith.constant 512 : i32
    %dma_wait3A_254 = tpu.memref_slice %arg6[%dma_wait3A_253] : memref<13312xi32, #tpu.memory_space<vmem>> -> memref<512xi32, #tpu.memory_space<vmem>>
    %dma_wait3A_255 = tpu.memref_slice %arg2[%dma_wait3A_248, %mul3A_2] : memref<26x16384xi32, #tpu.memory_space<hbm>> -> memref<1x512xi32, #tpu.memory_space<hbm>>
    %dma_wait3A_256 = tpu.memref_squeeze %dma_wait3A_255 : memref<1x512xi32, #tpu.memory_space<hbm>> -> memref<512xi32, #tpu.memory_space<hbm>>
    tpu.wait_dma2 semaphore(%arg10 : memref<!tpu.dma_semaphore, #tpu.memory_space<semaphore_mem>>) src(%dma_wait3A_256 : memref<512xi32, #tpu.memory_space<hbm>>) dst(%dma_wait3A_254 : memref<512xi32, #tpu.memory_space<vmem>>)
    %dma_wait3A_257 = arith.constant 2 : i32
    %dma_wait3A_258 = arith.constant 1024 : i32
    %dma_wait3A_259 = tpu.memref_slice %arg6[%dma_wait3A_258] : memref<13312xi32, #tpu.memory_space<vmem>> -> memref<512xi32, #tpu.memory_space<vmem>>
    %dma_wait3A_260 = tpu.memref_slice %arg2[%dma_wait3A_257, %mul3A_2] : memref<26x16384xi32, #tpu.memory_space<hbm>> -> memref<1x512xi32, #tpu.memory_space<hbm>>
    %dma_wait3A_261 = tpu.memref_squeeze %dma_wait3A_260 : memref<1x512xi32, #tpu.memory_space<hbm>> -> memref<512xi32, #tpu.memory_space<hbm>>
    %dma_wait3A_262 = arith.constant 1024 : i32
    %dma_wait3A_263 = tpu.memref_slice %arg6[%dma_wait3A_262] : memref<13312xi32, #tpu.memory_space<vmem>> -> memref<512xi32, #tpu.memory_space<vmem>>
    %dma_wait3A_264 = tpu.memref_slice %arg2[%dma_wait3A_257, %mul3A_2] : memref<26x16384xi32, #tpu.memory_space<hbm>> -> memref<1x512xi32, #tpu.memory_space<hbm>>
    %dma_wait3A_265 = tpu.memref_squeeze %dma_wait3A_264 : memref<1x512xi32, #tpu.memory_space<hbm>> -> memref<512xi32, #tpu.memory_space<hbm>>
    tpu.wait_dma2 semaphore(%arg10 : memref<!tpu.dma_semaphore, #tpu.memory_space<semaphore_mem>>) src(%dma_wait3A_265 : memref<512xi32, #tpu.memory_space<hbm>>) dst(%dma_wait3A_263 : memref<512xi32, #tpu.memory_space<vmem>>)
    %dma_wait3A_266 = arith.constant 3 : i32
    %dma_wait3A_267 = arith.constant 1536 : i32
    %dma_wait3A_268 = tpu.memref_slice %arg6[%dma_wait3A_267] : memref<13312xi32, #tpu.memory_space<vmem>> -> memref<512xi32, #tpu.memory_space<vmem>>
    %dma_wait3A_269 = tpu.memref_slice %arg2[%dma_wait3A_266, %mul3A_2] : memref<26x16384xi32, #tpu.memory_space<hbm>> -> memref<1x512xi32, #tpu.memory_space<hbm>>
    %dma_wait3A_270 = tpu.memref_squeeze %dma_wait3A_269 : memref<1x512xi32, #tpu.memory_space<hbm>> -> memref<512xi32, #tpu.memory_space<hbm>>
    %dma_wait3A_271 = arith.constant 1536 : i32
    %dma_wait3A_272 = tpu.memref_slice %arg6[%dma_wait3A_271] : memref<13312xi32, #tpu.memory_space<vmem>> -> memref<512xi32, #tpu.memory_space<vmem>>
    %dma_wait3A_273 = tpu.memref_slice %arg2[%dma_wait3A_266, %mul3A_2] : memref<26x16384xi32, #tpu.memory_space<hbm>> -> memref<1x512xi32, #tpu.memory_space<hbm>>
    %dma_wait3A_274 = tpu.memref_squeeze %dma_wait3A_273 : memref<1x512xi32, #tpu.memory_space<hbm>> -> memref<512xi32, #tpu.memory_space<hbm>>
    tpu.wait_dma2 semaphore(%arg10 : memref<!tpu.dma_semaphore, #tpu.memory_space<semaphore_mem>>) src(%dma_wait3A_274 : memref<512xi32, #tpu.memory_space<hbm>>) dst(%dma_wait3A_272 : memref<512xi32, #tpu.memory_space<vmem>>)
    %dma_wait3A_275 = arith.constant 4 : i32
    %dma_wait3A_276 = arith.constant 2048 : i32
    %dma_wait3A_277 = tpu.memref_slice %arg6[%dma_wait3A_276] : memref<13312xi32, #tpu.memory_space<vmem>> -> memref<512xi32, #tpu.memory_space<vmem>>
    %dma_wait3A_278 = tpu.memref_slice %arg2[%dma_wait3A_275, %mul3A_2] : memref<26x16384xi32, #tpu.memory_space<hbm>> -> memref<1x512xi32, #tpu.memory_space<hbm>>
    %dma_wait3A_279 = tpu.memref_squeeze %dma_wait3A_278 : memref<1x512xi32, #tpu.memory_space<hbm>> -> memref<512xi32, #tpu.memory_space<hbm>>
    %dma_wait3A_280 = arith.constant 2048 : i32
    %dma_wait3A_281 = tpu.memref_slice %arg6[%dma_wait3A_280] : memref<13312xi32, #tpu.memory_space<vmem>> -> memref<512xi32, #tpu.memory_space<vmem>>
    %dma_wait3A_282 = tpu.memref_slice %arg2[%dma_wait3A_275, %mul3A_2] : memref<26x16384xi32, #tpu.memory_space<hbm>> -> memref<1x512xi32, #tpu.memory_space<hbm>>
    %dma_wait3A_283 = tpu.memref_squeeze %dma_wait3A_282 : memref<1x512xi32, #tpu.memory_space<hbm>> -> memref<512xi32, #tpu.memory_space<hbm>>
    tpu.wait_dma2 semaphore(%arg10 : memref<!tpu.dma_semaphore, #tpu.memory_space<semaphore_mem>>) src(%dma_wait3A_283 : memref<512xi32, #tpu.memory_space<hbm>>) dst(%dma_wait3A_281 : memref<512xi32, #tpu.memory_space<vmem>>)
    %dma_wait3A_284 = arith.constant 5 : i32
    %dma_wait3A_285 = arith.constant 2560 : i32
    %dma_wait3A_286 = tpu.memref_slice %arg6[%dma_wait3A_285] : memref<13312xi32, #tpu.memory_space<vmem>> -> memref<512xi32, #tpu.memory_space<vmem>>
    %dma_wait3A_287 = tpu.memref_slice %arg2[%dma_wait3A_284, %mul3A_2] : memref<26x16384xi32, #tpu.memory_space<hbm>> -> memref<1x512xi32, #tpu.memory_space<hbm>>
    %dma_wait3A_288 = tpu.memref_squeeze %dma_wait3A_287 : memref<1x512xi32, #tpu.memory_space<hbm>> -> memref<512xi32, #tpu.memory_space<hbm>>
    %dma_wait3A_289 = arith.constant 2560 : i32
    %dma_wait3A_290 = tpu.memref_slice %arg6[%dma_wait3A_289] : memref<13312xi32, #tpu.memory_space<vmem>> -> memref<512xi32, #tpu.memory_space<vmem>>
    %dma_wait3A_291 = tpu.memref_slice %arg2[%dma_wait3A_284, %mul3A_2] : memref<26x16384xi32, #tpu.memory_space<hbm>> -> memref<1x512xi32, #tpu.memory_space<hbm>>
    %dma_wait3A_292 = tpu.memref_squeeze %dma_wait3A_291 : memref<1x512xi32, #tpu.memory_space<hbm>> -> memref<512xi32, #tpu.memory_space<hbm>>
    tpu.wait_dma2 semaphore(%arg10 : memref<!tpu.dma_semaphore, #tpu.memory_space<semaphore_mem>>) src(%dma_wait3A_292 : memref<512xi32, #tpu.memory_space<hbm>>) dst(%dma_wait3A_290 : memref<512xi32, #tpu.memory_space<vmem>>)
    %dma_wait3A_293 = arith.constant 6 : i32
    %dma_wait3A_294 = arith.constant 3072 : i32
    %dma_wait3A_295 = tpu.memref_slice %arg6[%dma_wait3A_294] : memref<13312xi32, #tpu.memory_space<vmem>> -> memref<512xi32, #tpu.memory_space<vmem>>
    %dma_wait3A_296 = tpu.memref_slice %arg2[%dma_wait3A_293, %mul3A_2] : memref<26x16384xi32, #tpu.memory_space<hbm>> -> memref<1x512xi32, #tpu.memory_space<hbm>>
    %dma_wait3A_297 = tpu.memref_squeeze %dma_wait3A_296 : memref<1x512xi32, #tpu.memory_space<hbm>> -> memref<512xi32, #tpu.memory_space<hbm>>
    %dma_wait3A_298 = arith.constant 3072 : i32
    %dma_wait3A_299 = tpu.memref_slice %arg6[%dma_wait3A_298] : memref<13312xi32, #tpu.memory_space<vmem>> -> memref<512xi32, #tpu.memory_space<vmem>>
    %dma_wait3A_300 = tpu.memref_slice %arg2[%dma_wait3A_293, %mul3A_2] : memref<26x16384xi32, #tpu.memory_space<hbm>> -> memref<1x512xi32, #tpu.memory_space<hbm>>
    %dma_wait3A_301 = tpu.memref_squeeze %dma_wait3A_300 : memref<1x512xi32, #tpu.memory_space<hbm>> -> memref<512xi32, #tpu.memory_space<hbm>>
    tpu.wait_dma2 semaphore(%arg10 : memref<!tpu.dma_semaphore, #tpu.memory_space<semaphore_mem>>) src(%dma_wait3A_301 : memref<512xi32, #tpu.memory_space<hbm>>) dst(%dma_wait3A_299 : memref<512xi32, #tpu.memory_space<vmem>>)
    %dma_start3A_302 = arith.constant 0 : i32
    %dma_start3A_303 = arith.constant 0 : i32
    %dma_start3A_304 = tpu.memref_slice %arg7[%dma_start3A_303] : memref<13312xf32, #tpu.memory_space<vmem>> -> memref<3584xf32, #tpu.memory_space<vmem>>
    %dma_start3A_305 = arith.constant 0 : i32
    %dma_start3A_306 = tpu.memref_slice %arg6[%dma_start3A_305] : memref<13312xi32, #tpu.memory_space<vmem>> -> memref<3584xi32, #tpu.memory_space<vmem>>
    %dma_start3A_307 = arith.constant 0 : i32
    %dma_start3A_308 = tpu.memref_slice %arg3[%dma_start3A_302, %dma_start3A_307] : memref<1x1000012xf32, #tpu.memory_space<hbm>> -> memref<1x1000012xf32, #tpu.memory_space<hbm>>
    %dma_start3A_309 = tpu.memref_squeeze %dma_start3A_308 : memref<1x1000012xf32, #tpu.memory_space<hbm>> -> memref<1000012xf32, #tpu.memory_space<hbm>>
    %dma_start3A_310 = arith.constant 0 : i32
    %dma_start3A_311 = tpu.memref_slice %dma_start3A_309[%dma_start3A_310] : memref<1000012xf32, #tpu.memory_space<hbm>> -> memref<1000012xf32, #tpu.memory_space<hbm>>
    tpu.enqueue_indirect_dma source(%dma_start3A_311 : memref<1000012xf32, #tpu.memory_space<hbm>>) target(%dma_start3A_304 : memref<3584xf32, #tpu.memory_space<vmem>>) offsets(%dma_start3A_306 : memref<3584xi32, #tpu.memory_space<vmem>>) semaphore(%arg11 : memref<!tpu.dma_semaphore, #tpu.memory_space<semaphore_mem>>)
    %dma_wait3A_312 = arith.constant 7 : i32
    %dma_wait3A_313 = arith.constant 3584 : i32
    %dma_wait3A_314 = tpu.memref_slice %arg6[%dma_wait3A_313] : memref<13312xi32, #tpu.memory_space<vmem>> -> memref<512xi32, #tpu.memory_space<vmem>>
    %dma_wait3A_315 = tpu.memref_slice %arg2[%dma_wait3A_312, %mul3A_2] : memref<26x16384xi32, #tpu.memory_space<hbm>> -> memref<1x512xi32, #tpu.memory_space<hbm>>
    %dma_wait3A_316 = tpu.memref_squeeze %dma_wait3A_315 : memref<1x512xi32, #tpu.memory_space<hbm>> -> memref<512xi32, #tpu.memory_space<hbm>>
    %dma_wait3A_317 = arith.constant 3584 : i32
    %dma_wait3A_318 = tpu.memref_slice %arg6[%dma_wait3A_317] : memref<13312xi32, #tpu.memory_space<vmem>> -> memref<512xi32, #tpu.memory_space<vmem>>
    %dma_wait3A_319 = tpu.memref_slice %arg2[%dma_wait3A_312, %mul3A_2] : memref<26x16384xi32, #tpu.memory_space<hbm>> -> memref<1x512xi32, #tpu.memory_space<hbm>>
    %dma_wait3A_320 = tpu.memref_squeeze %dma_wait3A_319 : memref<1x512xi32, #tpu.memory_space<hbm>> -> memref<512xi32, #tpu.memory_space<hbm>>
    tpu.wait_dma2 semaphore(%arg10 : memref<!tpu.dma_semaphore, #tpu.memory_space<semaphore_mem>>) src(%dma_wait3A_320 : memref<512xi32, #tpu.memory_space<hbm>>) dst(%dma_wait3A_318 : memref<512xi32, #tpu.memory_space<vmem>>)
    %dma_wait3A_321 = arith.constant 8 : i32
    %dma_wait3A_322 = arith.constant 4096 : i32
    %dma_wait3A_323 = tpu.memref_slice %arg6[%dma_wait3A_322] : memref<13312xi32, #tpu.memory_space<vmem>> -> memref<512xi32, #tpu.memory_space<vmem>>
    %dma_wait3A_324 = tpu.memref_slice %arg2[%dma_wait3A_321, %mul3A_2] : memref<26x16384xi32, #tpu.memory_space<hbm>> -> memref<1x512xi32, #tpu.memory_space<hbm>>
    %dma_wait3A_325 = tpu.memref_squeeze %dma_wait3A_324 : memref<1x512xi32, #tpu.memory_space<hbm>> -> memref<512xi32, #tpu.memory_space<hbm>>
    %dma_wait3A_326 = arith.constant 4096 : i32
    %dma_wait3A_327 = tpu.memref_slice %arg6[%dma_wait3A_326] : memref<13312xi32, #tpu.memory_space<vmem>> -> memref<512xi32, #tpu.memory_space<vmem>>
    %dma_wait3A_328 = tpu.memref_slice %arg2[%dma_wait3A_321, %mul3A_2] : memref<26x16384xi32, #tpu.memory_space<hbm>> -> memref<1x512xi32, #tpu.memory_space<hbm>>
    %dma_wait3A_329 = tpu.memref_squeeze %dma_wait3A_328 : memref<1x512xi32, #tpu.memory_space<hbm>> -> memref<512xi32, #tpu.memory_space<hbm>>
    tpu.wait_dma2 semaphore(%arg10 : memref<!tpu.dma_semaphore, #tpu.memory_space<semaphore_mem>>) src(%dma_wait3A_329 : memref<512xi32, #tpu.memory_space<hbm>>) dst(%dma_wait3A_327 : memref<512xi32, #tpu.memory_space<vmem>>)
    %dma_wait3A_330 = arith.constant 9 : i32
    %dma_wait3A_331 = arith.constant 4608 : i32
    %dma_wait3A_332 = tpu.memref_slice %arg6[%dma_wait3A_331] : memref<13312xi32, #tpu.memory_space<vmem>> -> memref<512xi32, #tpu.memory_space<vmem>>
    %dma_wait3A_333 = tpu.memref_slice %arg2[%dma_wait3A_330, %mul3A_2] : memref<26x16384xi32, #tpu.memory_space<hbm>> -> memref<1x512xi32, #tpu.memory_space<hbm>>
    %dma_wait3A_334 = tpu.memref_squeeze %dma_wait3A_333 : memref<1x512xi32, #tpu.memory_space<hbm>> -> memref<512xi32, #tpu.memory_space<hbm>>
    %dma_wait3A_335 = arith.constant 4608 : i32
    %dma_wait3A_336 = tpu.memref_slice %arg6[%dma_wait3A_335] : memref<13312xi32, #tpu.memory_space<vmem>> -> memref<512xi32, #tpu.memory_space<vmem>>
    %dma_wait3A_337 = tpu.memref_slice %arg2[%dma_wait3A_330, %mul3A_2] : memref<26x16384xi32, #tpu.memory_space<hbm>> -> memref<1x512xi32, #tpu.memory_space<hbm>>
    %dma_wait3A_338 = tpu.memref_squeeze %dma_wait3A_337 : memref<1x512xi32, #tpu.memory_space<hbm>> -> memref<512xi32, #tpu.memory_space<hbm>>
    tpu.wait_dma2 semaphore(%arg10 : memref<!tpu.dma_semaphore, #tpu.memory_space<semaphore_mem>>) src(%dma_wait3A_338 : memref<512xi32, #tpu.memory_space<hbm>>) dst(%dma_wait3A_336 : memref<512xi32, #tpu.memory_space<vmem>>)
    %dma_wait3A_339 = arith.constant 10 : i32
    %dma_wait3A_340 = arith.constant 5120 : i32
    %dma_wait3A_341 = tpu.memref_slice %arg6[%dma_wait3A_340] : memref<13312xi32, #tpu.memory_space<vmem>> -> memref<512xi32, #tpu.memory_space<vmem>>
    %dma_wait3A_342 = tpu.memref_slice %arg2[%dma_wait3A_339, %mul3A_2] : memref<26x16384xi32, #tpu.memory_space<hbm>> -> memref<1x512xi32, #tpu.memory_space<hbm>>
    %dma_wait3A_343 = tpu.memref_squeeze %dma_wait3A_342 : memref<1x512xi32, #tpu.memory_space<hbm>> -> memref<512xi32, #tpu.memory_space<hbm>>
    %dma_wait3A_344 = arith.constant 5120 : i32
    %dma_wait3A_345 = tpu.memref_slice %arg6[%dma_wait3A_344] : memref<13312xi32, #tpu.memory_space<vmem>> -> memref<512xi32, #tpu.memory_space<vmem>>
    %dma_wait3A_346 = tpu.memref_slice %arg2[%dma_wait3A_339, %mul3A_2] : memref<26x16384xi32, #tpu.memory_space<hbm>> -> memref<1x512xi32, #tpu.memory_space<hbm>>
    %dma_wait3A_347 = tpu.memref_squeeze %dma_wait3A_346 : memref<1x512xi32, #tpu.memory_space<hbm>> -> memref<512xi32, #tpu.memory_space<hbm>>
    tpu.wait_dma2 semaphore(%arg10 : memref<!tpu.dma_semaphore, #tpu.memory_space<semaphore_mem>>) src(%dma_wait3A_347 : memref<512xi32, #tpu.memory_space<hbm>>) dst(%dma_wait3A_345 : memref<512xi32, #tpu.memory_space<vmem>>)
    %dma_wait3A_348 = arith.constant 11 : i32
    %dma_wait3A_349 = arith.constant 5632 : i32
    %dma_wait3A_350 = tpu.memref_slice %arg6[%dma_wait3A_349] : memref<13312xi32, #tpu.memory_space<vmem>> -> memref<512xi32, #tpu.memory_space<vmem>>
    %dma_wait3A_351 = tpu.memref_slice %arg2[%dma_wait3A_348, %mul3A_2] : memref<26x16384xi32, #tpu.memory_space<hbm>> -> memref<1x512xi32, #tpu.memory_space<hbm>>
    %dma_wait3A_352 = tpu.memref_squeeze %dma_wait3A_351 : memref<1x512xi32, #tpu.memory_space<hbm>> -> memref<512xi32, #tpu.memory_space<hbm>>
    %dma_wait3A_353 = arith.constant 5632 : i32
    %dma_wait3A_354 = tpu.memref_slice %arg6[%dma_wait3A_353] : memref<13312xi32, #tpu.memory_space<vmem>> -> memref<512xi32, #tpu.memory_space<vmem>>
    %dma_wait3A_355 = tpu.memref_slice %arg2[%dma_wait3A_348, %mul3A_2] : memref<26x16384xi32, #tpu.memory_space<hbm>> -> memref<1x512xi32, #tpu.memory_space<hbm>>
    %dma_wait3A_356 = tpu.memref_squeeze %dma_wait3A_355 : memref<1x512xi32, #tpu.memory_space<hbm>> -> memref<512xi32, #tpu.memory_space<hbm>>
    tpu.wait_dma2 semaphore(%arg10 : memref<!tpu.dma_semaphore, #tpu.memory_space<semaphore_mem>>) src(%dma_wait3A_356 : memref<512xi32, #tpu.memory_space<hbm>>) dst(%dma_wait3A_354 : memref<512xi32, #tpu.memory_space<vmem>>)
    %dma_wait3A_357 = arith.constant 12 : i32
    %dma_wait3A_358 = arith.constant 6144 : i32
    %dma_wait3A_359 = tpu.memref_slice %arg6[%dma_wait3A_358] : memref<13312xi32, #tpu.memory_space<vmem>> -> memref<512xi32, #tpu.memory_space<vmem>>
    %dma_wait3A_360 = tpu.memref_slice %arg2[%dma_wait3A_357, %mul3A_2] : memref<26x16384xi32, #tpu.memory_space<hbm>> -> memref<1x512xi32, #tpu.memory_space<hbm>>
    %dma_wait3A_361 = tpu.memref_squeeze %dma_wait3A_360 : memref<1x512xi32, #tpu.memory_space<hbm>> -> memref<512xi32, #tpu.memory_space<hbm>>
    %dma_wait3A_362 = arith.constant 6144 : i32
    %dma_wait3A_363 = tpu.memref_slice %arg6[%dma_wait3A_362] : memref<13312xi32, #tpu.memory_space<vmem>> -> memref<512xi32, #tpu.memory_space<vmem>>
    %dma_wait3A_364 = tpu.memref_slice %arg2[%dma_wait3A_357, %mul3A_2] : memref<26x16384xi32, #tpu.memory_space<hbm>> -> memref<1x512xi32, #tpu.memory_space<hbm>>
    %dma_wait3A_365 = tpu.memref_squeeze %dma_wait3A_364 : memref<1x512xi32, #tpu.memory_space<hbm>> -> memref<512xi32, #tpu.memory_space<hbm>>
    tpu.wait_dma2 semaphore(%arg10 : memref<!tpu.dma_semaphore, #tpu.memory_space<semaphore_mem>>) src(%dma_wait3A_365 : memref<512xi32, #tpu.memory_space<hbm>>) dst(%dma_wait3A_363 : memref<512xi32, #tpu.memory_space<vmem>>)
    %dma_start3A_366 = arith.constant 0 : i32
    %dma_start3A_367 = arith.constant 3584 : i32
    %dma_start3A_368 = tpu.memref_slice %arg7[%dma_start3A_367] : memref<13312xf32, #tpu.memory_space<vmem>> -> memref<3072xf32, #tpu.memory_space<vmem>>
    %dma_start3A_369 = arith.constant 3584 : i32
    %dma_start3A_370 = tpu.memref_slice %arg6[%dma_start3A_369] : memref<13312xi32, #tpu.memory_space<vmem>> -> memref<3072xi32, #tpu.memory_space<vmem>>
    %dma_start3A_371 = arith.constant 0 : i32
    %dma_start3A_372 = tpu.memref_slice %arg3[%dma_start3A_366, %dma_start3A_371] : memref<1x1000012xf32, #tpu.memory_space<hbm>> -> memref<1x1000012xf32, #tpu.memory_space<hbm>>
    %dma_start3A_373 = tpu.memref_squeeze %dma_start3A_372 : memref<1x1000012xf32, #tpu.memory_space<hbm>> -> memref<1000012xf32, #tpu.memory_space<hbm>>
    %dma_start3A_374 = arith.constant 0 : i32
    %dma_start3A_375 = tpu.memref_slice %dma_start3A_373[%dma_start3A_374] : memref<1000012xf32, #tpu.memory_space<hbm>> -> memref<1000012xf32, #tpu.memory_space<hbm>>
    tpu.enqueue_indirect_dma source(%dma_start3A_375 : memref<1000012xf32, #tpu.memory_space<hbm>>) target(%dma_start3A_368 : memref<3072xf32, #tpu.memory_space<vmem>>) offsets(%dma_start3A_370 : memref<3072xi32, #tpu.memory_space<vmem>>) semaphore(%arg12 : memref<!tpu.dma_semaphore, #tpu.memory_space<semaphore_mem>>)
    %dma_wait3A_376 = arith.constant 13 : i32
    %dma_wait3A_377 = arith.constant 6656 : i32
    %dma_wait3A_378 = tpu.memref_slice %arg6[%dma_wait3A_377] : memref<13312xi32, #tpu.memory_space<vmem>> -> memref<512xi32, #tpu.memory_space<vmem>>
    %dma_wait3A_379 = tpu.memref_slice %arg2[%dma_wait3A_376, %mul3A_2] : memref<26x16384xi32, #tpu.memory_space<hbm>> -> memref<1x512xi32, #tpu.memory_space<hbm>>
    %dma_wait3A_380 = tpu.memref_squeeze %dma_wait3A_379 : memref<1x512xi32, #tpu.memory_space<hbm>> -> memref<512xi32, #tpu.memory_space<hbm>>
    %dma_wait3A_381 = arith.constant 6656 : i32
    %dma_wait3A_382 = tpu.memref_slice %arg6[%dma_wait3A_381] : memref<13312xi32, #tpu.memory_space<vmem>> -> memref<512xi32, #tpu.memory_space<vmem>>
    %dma_wait3A_383 = tpu.memref_slice %arg2[%dma_wait3A_376, %mul3A_2] : memref<26x16384xi32, #tpu.memory_space<hbm>> -> memref<1x512xi32, #tpu.memory_space<hbm>>
    %dma_wait3A_384 = tpu.memref_squeeze %dma_wait3A_383 : memref<1x512xi32, #tpu.memory_space<hbm>> -> memref<512xi32, #tpu.memory_space<hbm>>
    tpu.wait_dma2 semaphore(%arg10 : memref<!tpu.dma_semaphore, #tpu.memory_space<semaphore_mem>>) src(%dma_wait3A_384 : memref<512xi32, #tpu.memory_space<hbm>>) dst(%dma_wait3A_382 : memref<512xi32, #tpu.memory_space<vmem>>)
    %dma_wait3A_385 = arith.constant 14 : i32
    %dma_wait3A_386 = arith.constant 7168 : i32
    %dma_wait3A_387 = tpu.memref_slice %arg6[%dma_wait3A_386] : memref<13312xi32, #tpu.memory_space<vmem>> -> memref<512xi32, #tpu.memory_space<vmem>>
    %dma_wait3A_388 = tpu.memref_slice %arg2[%dma_wait3A_385, %mul3A_2] : memref<26x16384xi32, #tpu.memory_space<hbm>> -> memref<1x512xi32, #tpu.memory_space<hbm>>
    %dma_wait3A_389 = tpu.memref_squeeze %dma_wait3A_388 : memref<1x512xi32, #tpu.memory_space<hbm>> -> memref<512xi32, #tpu.memory_space<hbm>>
    %dma_wait3A_390 = arith.constant 7168 : i32
    %dma_wait3A_391 = tpu.memref_slice %arg6[%dma_wait3A_390] : memref<13312xi32, #tpu.memory_space<vmem>> -> memref<512xi32, #tpu.memory_space<vmem>>
    %dma_wait3A_392 = tpu.memref_slice %arg2[%dma_wait3A_385, %mul3A_2] : memref<26x16384xi32, #tpu.memory_space<hbm>> -> memref<1x512xi32, #tpu.memory_space<hbm>>
    %dma_wait3A_393 = tpu.memref_squeeze %dma_wait3A_392 : memref<1x512xi32, #tpu.memory_space<hbm>> -> memref<512xi32, #tpu.memory_space<hbm>>
    tpu.wait_dma2 semaphore(%arg10 : memref<!tpu.dma_semaphore, #tpu.memory_space<semaphore_mem>>) src(%dma_wait3A_393 : memref<512xi32, #tpu.memory_space<hbm>>) dst(%dma_wait3A_391 : memref<512xi32, #tpu.memory_space<vmem>>)
    %dma_wait3A_394 = arith.constant 15 : i32
    %dma_wait3A_395 = arith.constant 7680 : i32
    %dma_wait3A_396 = tpu.memref_slice %arg6[%dma_wait3A_395] : memref<13312xi32, #tpu.memory_space<vmem>> -> memref<512xi32, #tpu.memory_space<vmem>>
    %dma_wait3A_397 = tpu.memref_slice %arg2[%dma_wait3A_394, %mul3A_2] : memref<26x16384xi32, #tpu.memory_space<hbm>> -> memref<1x512xi32, #tpu.memory_space<hbm>>
    %dma_wait3A_398 = tpu.memref_squeeze %dma_wait3A_397 : memref<1x512xi32, #tpu.memory_space<hbm>> -> memref<512xi32, #tpu.memory_space<hbm>>
    %dma_wait3A_399 = arith.constant 7680 : i32
    %dma_wait3A_400 = tpu.memref_slice %arg6[%dma_wait3A_399] : memref<13312xi32, #tpu.memory_space<vmem>> -> memref<512xi32, #tpu.memory_space<vmem>>
    %dma_wait3A_401 = tpu.memref_slice %arg2[%dma_wait3A_394, %mul3A_2] : memref<26x16384xi32, #tpu.memory_space<hbm>> -> memref<1x512xi32, #tpu.memory_space<hbm>>
    %dma_wait3A_402 = tpu.memref_squeeze %dma_wait3A_401 : memref<1x512xi32, #tpu.memory_space<hbm>> -> memref<512xi32, #tpu.memory_space<hbm>>
    tpu.wait_dma2 semaphore(%arg10 : memref<!tpu.dma_semaphore, #tpu.memory_space<semaphore_mem>>) src(%dma_wait3A_402 : memref<512xi32, #tpu.memory_space<hbm>>) dst(%dma_wait3A_400 : memref<512xi32, #tpu.memory_space<vmem>>)
    %dma_wait3A_403 = arith.constant 16 : i32
    %dma_wait3A_404 = arith.constant 8192 : i32
    %dma_wait3A_405 = tpu.memref_slice %arg6[%dma_wait3A_404] : memref<13312xi32, #tpu.memory_space<vmem>> -> memref<512xi32, #tpu.memory_space<vmem>>
    %dma_wait3A_406 = tpu.memref_slice %arg2[%dma_wait3A_403, %mul3A_2] : memref<26x16384xi32, #tpu.memory_space<hbm>> -> memref<1x512xi32, #tpu.memory_space<hbm>>
    %dma_wait3A_407 = tpu.memref_squeeze %dma_wait3A_406 : memref<1x512xi32, #tpu.memory_space<hbm>> -> memref<512xi32, #tpu.memory_space<hbm>>
    %dma_wait3A_408 = arith.constant 8192 : i32
    %dma_wait3A_409 = tpu.memref_slice %arg6[%dma_wait3A_408] : memref<13312xi32, #tpu.memory_space<vmem>> -> memref<512xi32, #tpu.memory_space<vmem>>
    %dma_wait3A_410 = tpu.memref_slice %arg2[%dma_wait3A_403, %mul3A_2] : memref<26x16384xi32, #tpu.memory_space<hbm>> -> memref<1x512xi32, #tpu.memory_space<hbm>>
    %dma_wait3A_411 = tpu.memref_squeeze %dma_wait3A_410 : memref<1x512xi32, #tpu.memory_space<hbm>> -> memref<512xi32, #tpu.memory_space<hbm>>
    tpu.wait_dma2 semaphore(%arg10 : memref<!tpu.dma_semaphore, #tpu.memory_space<semaphore_mem>>) src(%dma_wait3A_411 : memref<512xi32, #tpu.memory_space<hbm>>) dst(%dma_wait3A_409 : memref<512xi32, #tpu.memory_space<vmem>>)
    %dma_wait3A_412 = arith.constant 17 : i32
    %dma_wait3A_413 = arith.constant 8704 : i32
    %dma_wait3A_414 = tpu.memref_slice %arg6[%dma_wait3A_413] : memref<13312xi32, #tpu.memory_space<vmem>> -> memref<512xi32, #tpu.memory_space<vmem>>
    %dma_wait3A_415 = tpu.memref_slice %arg2[%dma_wait3A_412, %mul3A_2] : memref<26x16384xi32, #tpu.memory_space<hbm>> -> memref<1x512xi32, #tpu.memory_space<hbm>>
    %dma_wait3A_416 = tpu.memref_squeeze %dma_wait3A_415 : memref<1x512xi32, #tpu.memory_space<hbm>> -> memref<512xi32, #tpu.memory_space<hbm>>
    %dma_wait3A_417 = arith.constant 8704 : i32
    %dma_wait3A_418 = tpu.memref_slice %arg6[%dma_wait3A_417] : memref<13312xi32, #tpu.memory_space<vmem>> -> memref<512xi32, #tpu.memory_space<vmem>>
    %dma_wait3A_419 = tpu.memref_slice %arg2[%dma_wait3A_412, %mul3A_2] : memref<26x16384xi32, #tpu.memory_space<hbm>> -> memref<1x512xi32, #tpu.memory_space<hbm>>
    %dma_wait3A_420 = tpu.memref_squeeze %dma_wait3A_419 : memref<1x512xi32, #tpu.memory_space<hbm>> -> memref<512xi32, #tpu.memory_space<hbm>>
    tpu.wait_dma2 semaphore(%arg10 : memref<!tpu.dma_semaphore, #tpu.memory_space<semaphore_mem>>) src(%dma_wait3A_420 : memref<512xi32, #tpu.memory_space<hbm>>) dst(%dma_wait3A_418 : memref<512xi32, #tpu.memory_space<vmem>>)
    %dma_wait3A_421 = arith.constant 18 : i32
    %dma_wait3A_422 = arith.constant 9216 : i32
    %dma_wait3A_423 = tpu.memref_slice %arg6[%dma_wait3A_422] : memref<13312xi32, #tpu.memory_space<vmem>> -> memref<512xi32, #tpu.memory_space<vmem>>
    %dma_wait3A_424 = tpu.memref_slice %arg2[%dma_wait3A_421, %mul3A_2] : memref<26x16384xi32, #tpu.memory_space<hbm>> -> memref<1x512xi32, #tpu.memory_space<hbm>>
    %dma_wait3A_425 = tpu.memref_squeeze %dma_wait3A_424 : memref<1x512xi32, #tpu.memory_space<hbm>> -> memref<512xi32, #tpu.memory_space<hbm>>
    %dma_wait3A_426 = arith.constant 9216 : i32
    %dma_wait3A_427 = tpu.memref_slice %arg6[%dma_wait3A_426] : memref<13312xi32, #tpu.memory_space<vmem>> -> memref<512xi32, #tpu.memory_space<vmem>>
    %dma_wait3A_428 = tpu.memref_slice %arg2[%dma_wait3A_421, %mul3A_2] : memref<26x16384xi32, #tpu.memory_space<hbm>> -> memref<1x512xi32, #tpu.memory_space<hbm>>
    %dma_wait3A_429 = tpu.memref_squeeze %dma_wait3A_428 : memref<1x512xi32, #tpu.memory_space<hbm>> -> memref<512xi32, #tpu.memory_space<hbm>>
    tpu.wait_dma2 semaphore(%arg10 : memref<!tpu.dma_semaphore, #tpu.memory_space<semaphore_mem>>) src(%dma_wait3A_429 : memref<512xi32, #tpu.memory_space<hbm>>) dst(%dma_wait3A_427 : memref<512xi32, #tpu.memory_space<vmem>>)
    %dma_wait3A_430 = arith.constant 19 : i32
    %dma_wait3A_431 = arith.constant 9728 : i32
    %dma_wait3A_432 = tpu.memref_slice %arg6[%dma_wait3A_431] : memref<13312xi32, #tpu.memory_space<vmem>> -> memref<512xi32, #tpu.memory_space<vmem>>
    %dma_wait3A_433 = tpu.memref_slice %arg2[%dma_wait3A_430, %mul3A_2] : memref<26x16384xi32, #tpu.memory_space<hbm>> -> memref<1x512xi32, #tpu.memory_space<hbm>>
    %dma_wait3A_434 = tpu.memref_squeeze %dma_wait3A_433 : memref<1x512xi32, #tpu.memory_space<hbm>> -> memref<512xi32, #tpu.memory_space<hbm>>
    %dma_wait3A_435 = arith.constant 9728 : i32
    %dma_wait3A_436 = tpu.memref_slice %arg6[%dma_wait3A_435] : memref<13312xi32, #tpu.memory_space<vmem>> -> memref<512xi32, #tpu.memory_space<vmem>>
    %dma_wait3A_437 = tpu.memref_slice %arg2[%dma_wait3A_430, %mul3A_2] : memref<26x16384xi32, #tpu.memory_space<hbm>> -> memref<1x512xi32, #tpu.memory_space<hbm>>
    %dma_wait3A_438 = tpu.memref_squeeze %dma_wait3A_437 : memref<1x512xi32, #tpu.memory_space<hbm>> -> memref<512xi32, #tpu.memory_space<hbm>>
    tpu.wait_dma2 semaphore(%arg10 : memref<!tpu.dma_semaphore, #tpu.memory_space<semaphore_mem>>) src(%dma_wait3A_438 : memref<512xi32, #tpu.memory_space<hbm>>) dst(%dma_wait3A_436 : memref<512xi32, #tpu.memory_space<vmem>>)
    %dma_start3A_439 = arith.constant 0 : i32
    %dma_start3A_440 = arith.constant 6656 : i32
    %dma_start3A_441 = tpu.memref_slice %arg7[%dma_start3A_440] : memref<13312xf32, #tpu.memory_space<vmem>> -> memref<3584xf32, #tpu.memory_space<vmem>>
    %dma_start3A_442 = arith.constant 6656 : i32
    %dma_start3A_443 = tpu.memref_slice %arg6[%dma_start3A_442] : memref<13312xi32, #tpu.memory_space<vmem>> -> memref<3584xi32, #tpu.memory_space<vmem>>
    %dma_start3A_444 = arith.constant 0 : i32
    %dma_start3A_445 = tpu.memref_slice %arg3[%dma_start3A_439, %dma_start3A_444] : memref<1x1000012xf32, #tpu.memory_space<hbm>> -> memref<1x1000012xf32, #tpu.memory_space<hbm>>
    %dma_start3A_446 = tpu.memref_squeeze %dma_start3A_445 : memref<1x1000012xf32, #tpu.memory_space<hbm>> -> memref<1000012xf32, #tpu.memory_space<hbm>>
    %dma_start3A_447 = arith.constant 0 : i32
    %dma_start3A_448 = tpu.memref_slice %dma_start3A_446[%dma_start3A_447] : memref<1000012xf32, #tpu.memory_space<hbm>> -> memref<1000012xf32, #tpu.memory_space<hbm>>
    tpu.enqueue_indirect_dma source(%dma_start3A_448 : memref<1000012xf32, #tpu.memory_space<hbm>>) target(%dma_start3A_441 : memref<3584xf32, #tpu.memory_space<vmem>>) offsets(%dma_start3A_443 : memref<3584xi32, #tpu.memory_space<vmem>>) semaphore(%arg13 : memref<!tpu.dma_semaphore, #tpu.memory_space<semaphore_mem>>)
    %dma_wait3A_449 = arith.constant 20 : i32
    %dma_wait3A_450 = arith.constant 10240 : i32
    %dma_wait3A_451 = tpu.memref_slice %arg6[%dma_wait3A_450] : memref<13312xi32, #tpu.memory_space<vmem>> -> memref<512xi32, #tpu.memory_space<vmem>>
    %dma_wait3A_452 = tpu.memref_slice %arg2[%dma_wait3A_449, %mul3A_2] : memref<26x16384xi32, #tpu.memory_space<hbm>> -> memref<1x512xi32, #tpu.memory_space<hbm>>
    %dma_wait3A_453 = tpu.memref_squeeze %dma_wait3A_452 : memref<1x512xi32, #tpu.memory_space<hbm>> -> memref<512xi32, #tpu.memory_space<hbm>>
    %dma_wait3A_454 = arith.constant 10240 : i32
    %dma_wait3A_455 = tpu.memref_slice %arg6[%dma_wait3A_454] : memref<13312xi32, #tpu.memory_space<vmem>> -> memref<512xi32, #tpu.memory_space<vmem>>
    %dma_wait3A_456 = tpu.memref_slice %arg2[%dma_wait3A_449, %mul3A_2] : memref<26x16384xi32, #tpu.memory_space<hbm>> -> memref<1x512xi32, #tpu.memory_space<hbm>>
    %dma_wait3A_457 = tpu.memref_squeeze %dma_wait3A_456 : memref<1x512xi32, #tpu.memory_space<hbm>> -> memref<512xi32, #tpu.memory_space<hbm>>
    tpu.wait_dma2 semaphore(%arg10 : memref<!tpu.dma_semaphore, #tpu.memory_space<semaphore_mem>>) src(%dma_wait3A_457 : memref<512xi32, #tpu.memory_space<hbm>>) dst(%dma_wait3A_455 : memref<512xi32, #tpu.memory_space<vmem>>)
    %dma_wait3A_458 = arith.constant 21 : i32
    %dma_wait3A_459 = arith.constant 10752 : i32
    %dma_wait3A_460 = tpu.memref_slice %arg6[%dma_wait3A_459] : memref<13312xi32, #tpu.memory_space<vmem>> -> memref<512xi32, #tpu.memory_space<vmem>>
    %dma_wait3A_461 = tpu.memref_slice %arg2[%dma_wait3A_458, %mul3A_2] : memref<26x16384xi32, #tpu.memory_space<hbm>> -> memref<1x512xi32, #tpu.memory_space<hbm>>
    %dma_wait3A_462 = tpu.memref_squeeze %dma_wait3A_461 : memref<1x512xi32, #tpu.memory_space<hbm>> -> memref<512xi32, #tpu.memory_space<hbm>>
    %dma_wait3A_463 = arith.constant 10752 : i32
    %dma_wait3A_464 = tpu.memref_slice %arg6[%dma_wait3A_463] : memref<13312xi32, #tpu.memory_space<vmem>> -> memref<512xi32, #tpu.memory_space<vmem>>
    %dma_wait3A_465 = tpu.memref_slice %arg2[%dma_wait3A_458, %mul3A_2] : memref<26x16384xi32, #tpu.memory_space<hbm>> -> memref<1x512xi32, #tpu.memory_space<hbm>>
    %dma_wait3A_466 = tpu.memref_squeeze %dma_wait3A_465 : memref<1x512xi32, #tpu.memory_space<hbm>> -> memref<512xi32, #tpu.memory_space<hbm>>
    tpu.wait_dma2 semaphore(%arg10 : memref<!tpu.dma_semaphore, #tpu.memory_space<semaphore_mem>>) src(%dma_wait3A_466 : memref<512xi32, #tpu.memory_space<hbm>>) dst(%dma_wait3A_464 : memref<512xi32, #tpu.memory_space<vmem>>)
    %dma_wait3A_467 = arith.constant 22 : i32
    %dma_wait3A_468 = arith.constant 11264 : i32
    %dma_wait3A_469 = tpu.memref_slice %arg6[%dma_wait3A_468] : memref<13312xi32, #tpu.memory_space<vmem>> -> memref<512xi32, #tpu.memory_space<vmem>>
    %dma_wait3A_470 = tpu.memref_slice %arg2[%dma_wait3A_467, %mul3A_2] : memref<26x16384xi32, #tpu.memory_space<hbm>> -> memref<1x512xi32, #tpu.memory_space<hbm>>
    %dma_wait3A_471 = tpu.memref_squeeze %dma_wait3A_470 : memref<1x512xi32, #tpu.memory_space<hbm>> -> memref<512xi32, #tpu.memory_space<hbm>>
    %dma_wait3A_472 = arith.constant 11264 : i32
    %dma_wait3A_473 = tpu.memref_slice %arg6[%dma_wait3A_472] : memref<13312xi32, #tpu.memory_space<vmem>> -> memref<512xi32, #tpu.memory_space<vmem>>
    %dma_wait3A_474 = tpu.memref_slice %arg2[%dma_wait3A_467, %mul3A_2] : memref<26x16384xi32, #tpu.memory_space<hbm>> -> memref<1x512xi32, #tpu.memory_space<hbm>>
    %dma_wait3A_475 = tpu.memref_squeeze %dma_wait3A_474 : memref<1x512xi32, #tpu.memory_space<hbm>> -> memref<512xi32, #tpu.memory_space<hbm>>
    tpu.wait_dma2 semaphore(%arg10 : memref<!tpu.dma_semaphore, #tpu.memory_space<semaphore_mem>>) src(%dma_wait3A_475 : memref<512xi32, #tpu.memory_space<hbm>>) dst(%dma_wait3A_473 : memref<512xi32, #tpu.memory_space<vmem>>)
    %dma_wait3A_476 = arith.constant 23 : i32
    %dma_wait3A_477 = arith.constant 11776 : i32
    %dma_wait3A_478 = tpu.memref_slice %arg6[%dma_wait3A_477] : memref<13312xi32, #tpu.memory_space<vmem>> -> memref<512xi32, #tpu.memory_space<vmem>>
    %dma_wait3A_479 = tpu.memref_slice %arg2[%dma_wait3A_476, %mul3A_2] : memref<26x16384xi32, #tpu.memory_space<hbm>> -> memref<1x512xi32, #tpu.memory_space<hbm>>
    %dma_wait3A_480 = tpu.memref_squeeze %dma_wait3A_479 : memref<1x512xi32, #tpu.memory_space<hbm>> -> memref<512xi32, #tpu.memory_space<hbm>>
    %dma_wait3A_481 = arith.constant 11776 : i32
    %dma_wait3A_482 = tpu.memref_slice %arg6[%dma_wait3A_481] : memref<13312xi32, #tpu.memory_space<vmem>> -> memref<512xi32, #tpu.memory_space<vmem>>
    %dma_wait3A_483 = tpu.memref_slice %arg2[%dma_wait3A_476, %mul3A_2] : memref<26x16384xi32, #tpu.memory_space<hbm>> -> memref<1x512xi32, #tpu.memory_space<hbm>>
    %dma_wait3A_484 = tpu.memref_squeeze %dma_wait3A_483 : memref<1x512xi32, #tpu.memory_space<hbm>> -> memref<512xi32, #tpu.memory_space<hbm>>
    tpu.wait_dma2 semaphore(%arg10 : memref<!tpu.dma_semaphore, #tpu.memory_space<semaphore_mem>>) src(%dma_wait3A_484 : memref<512xi32, #tpu.memory_space<hbm>>) dst(%dma_wait3A_482 : memref<512xi32, #tpu.memory_space<vmem>>)
    %dma_wait3A_485 = arith.constant 24 : i32
    %dma_wait3A_486 = arith.constant 12288 : i32
    %dma_wait3A_487 = tpu.memref_slice %arg6[%dma_wait3A_486] : memref<13312xi32, #tpu.memory_space<vmem>> -> memref<512xi32, #tpu.memory_space<vmem>>
    %dma_wait3A_488 = tpu.memref_slice %arg2[%dma_wait3A_485, %mul3A_2] : memref<26x16384xi32, #tpu.memory_space<hbm>> -> memref<1x512xi32, #tpu.memory_space<hbm>>
    %dma_wait3A_489 = tpu.memref_squeeze %dma_wait3A_488 : memref<1x512xi32, #tpu.memory_space<hbm>> -> memref<512xi32, #tpu.memory_space<hbm>>
    %dma_wait3A_490 = arith.constant 12288 : i32
    %dma_wait3A_491 = tpu.memref_slice %arg6[%dma_wait3A_490] : memref<13312xi32, #tpu.memory_space<vmem>> -> memref<512xi32, #tpu.memory_space<vmem>>
    %dma_wait3A_492 = tpu.memref_slice %arg2[%dma_wait3A_485, %mul3A_2] : memref<26x16384xi32, #tpu.memory_space<hbm>> -> memref<1x512xi32, #tpu.memory_space<hbm>>
    %dma_wait3A_493 = tpu.memref_squeeze %dma_wait3A_492 : memref<1x512xi32, #tpu.memory_space<hbm>> -> memref<512xi32, #tpu.memory_space<hbm>>
    tpu.wait_dma2 semaphore(%arg10 : memref<!tpu.dma_semaphore, #tpu.memory_space<semaphore_mem>>) src(%dma_wait3A_493 : memref<512xi32, #tpu.memory_space<hbm>>) dst(%dma_wait3A_491 : memref<512xi32, #tpu.memory_space<vmem>>)
    %dma_wait3A_494 = arith.constant 25 : i32
    %dma_wait3A_495 = arith.constant 12800 : i32
    %dma_wait3A_496 = tpu.memref_slice %arg6[%dma_wait3A_495] : memref<13312xi32, #tpu.memory_space<vmem>> -> memref<512xi32, #tpu.memory_space<vmem>>
    %dma_wait3A_497 = tpu.memref_slice %arg2[%dma_wait3A_494, %mul3A_2] : memref<26x16384xi32, #tpu.memory_space<hbm>> -> memref<1x512xi32, #tpu.memory_space<hbm>>
    %dma_wait3A_498 = tpu.memref_squeeze %dma_wait3A_497 : memref<1x512xi32, #tpu.memory_space<hbm>> -> memref<512xi32, #tpu.memory_space<hbm>>
    %dma_wait3A_499 = arith.constant 12800 : i32
    %dma_wait3A_500 = tpu.memref_slice %arg6[%dma_wait3A_499] : memref<13312xi32, #tpu.memory_space<vmem>> -> memref<512xi32, #tpu.memory_space<vmem>>
    %dma_wait3A_501 = tpu.memref_slice %arg2[%dma_wait3A_494, %mul3A_2] : memref<26x16384xi32, #tpu.memory_space<hbm>> -> memref<1x512xi32, #tpu.memory_space<hbm>>
    %dma_wait3A_502 = tpu.memref_squeeze %dma_wait3A_501 : memref<1x512xi32, #tpu.memory_space<hbm>> -> memref<512xi32, #tpu.memory_space<hbm>>
    tpu.wait_dma2 semaphore(%arg10 : memref<!tpu.dma_semaphore, #tpu.memory_space<semaphore_mem>>) src(%dma_wait3A_502 : memref<512xi32, #tpu.memory_space<hbm>>) dst(%dma_wait3A_500 : memref<512xi32, #tpu.memory_space<vmem>>)
    %dma_start3A_503 = arith.constant 0 : i32
    %dma_start3A_504 = arith.constant 10240 : i32
    %dma_start3A_505 = tpu.memref_slice %arg7[%dma_start3A_504] : memref<13312xf32, #tpu.memory_space<vmem>> -> memref<3072xf32, #tpu.memory_space<vmem>>
    %dma_start3A_506 = arith.constant 10240 : i32
    %dma_start3A_507 = tpu.memref_slice %arg6[%dma_start3A_506] : memref<13312xi32, #tpu.memory_space<vmem>> -> memref<3072xi32, #tpu.memory_space<vmem>>
    %dma_start3A_508 = arith.constant 0 : i32
    %dma_start3A_509 = tpu.memref_slice %arg3[%dma_start3A_503, %dma_start3A_508] : memref<1x1000012xf32, #tpu.memory_space<hbm>> -> memref<1x1000012xf32, #tpu.memory_space<hbm>>
    %dma_start3A_510 = tpu.memref_squeeze %dma_start3A_509 : memref<1x1000012xf32, #tpu.memory_space<hbm>> -> memref<1000012xf32, #tpu.memory_space<hbm>>
    %dma_start3A_511 = arith.constant 0 : i32
    %dma_start3A_512 = tpu.memref_slice %dma_start3A_510[%dma_start3A_511] : memref<1000012xf32, #tpu.memory_space<hbm>> -> memref<1000012xf32, #tpu.memory_space<hbm>>
    tpu.enqueue_indirect_dma source(%dma_start3A_512 : memref<1000012xf32, #tpu.memory_space<hbm>>) target(%dma_start3A_505 : memref<3072xf32, #tpu.memory_space<vmem>>) offsets(%dma_start3A_507 : memref<3072xi32, #tpu.memory_space<vmem>>) semaphore(%arg14 : memref<!tpu.dma_semaphore, #tpu.memory_space<semaphore_mem>>)
    %dma_wait3A_513 = arith.constant 0 : i32
    %dma_wait3A_514 = tpu.memref_slice %arg9[%dma_wait3A_513] : memref<16xf32, #tpu.memory_space<vmem>> -> memref<1xf32, #tpu.memory_space<vmem>>
    %dma_wait3A_515 = arith.constant 0 : i32
    %dma_wait3A_516 = tpu.memref_slice %arg9[%dma_wait3A_515] : memref<16xf32, #tpu.memory_space<vmem>> -> memref<1xf32, #tpu.memory_space<vmem>>
    tpu.wait_dma2 semaphore(%arg15 : memref<!tpu.dma_semaphore, #tpu.memory_space<semaphore_mem>>) src(%arg4 : memref<1xf32, #tpu.memory_space<hbm>>) dst(%dma_wait3A_516 : memref<1xf32, #tpu.memory_space<vmem>>)
    %get3A = arith.constant 0 : index
    %get3A_517 = tpu.vector_load %arg9[%get3A] {strides = array<i32>} : memref<16xf32, #tpu.memory_space<vmem>>, vector<16xf32>,
    %slice3A = vector.extract_strided_slice %get3A_517 {offsets = [0], sizes = [1], strides = [1]} : vector<16xf32> to vector<1xf32>
    %squeeze3A = vector.extract %slice3A[0] : f32 from vector<1xf32>
    %dma_wait3A_518 = arith.constant 0 : i32
    %dma_wait3A_519 = arith.constant 0 : i32
    %dma_wait3A_520 = tpu.memref_slice %arg7[%dma_wait3A_519] : memref<13312xf32, #tpu.memory_space<vmem>> -> memref<3584xf32, #tpu.memory_space<vmem>>
    %dma_wait3A_521 = arith.constant 0 : i32
    %dma_wait3A_522 = tpu.memref_slice %arg6[%dma_wait3A_521] : memref<13312xi32, #tpu.memory_space<vmem>> -> memref<3584xi32, #tpu.memory_space<vmem>>
    %dma_wait3A_523 = arith.constant 0 : i32
    %dma_wait3A_524 = tpu.memref_slice %arg3[%dma_wait3A_518, %dma_wait3A_523] : memref<1x1000012xf32, #tpu.memory_space<hbm>> -> memref<1x1000012xf32, #tpu.memory_space<hbm>>
    %dma_wait3A_525 = tpu.memref_squeeze %dma_wait3A_524 : memref<1x1000012xf32, #tpu.memory_space<hbm>> -> memref<1000012xf32, #tpu.memory_space<hbm>>
    %dma_wait3A_526 = arith.constant 0 : i32
    %dma_wait3A_527 = tpu.memref_slice %dma_wait3A_525[%dma_wait3A_526] : memref<1000012xf32, #tpu.memory_space<hbm>> -> memref<1000012xf32, #tpu.memory_space<hbm>>
    tpu.wait_indirect_dma semaphore(%arg11 : memref<!tpu.dma_semaphore, #tpu.memory_space<semaphore_mem>>) src(%dma_wait3A_527 : memref<1000012xf32, #tpu.memory_space<hbm>>) dst(%dma_wait3A_520 : memref<3584xf32, #tpu.memory_space<vmem>>)
    %scan3A = arith.constant 0 : i32
    %scan3A_528 = arith.constant 0 : i32
    %scan3A_529 = arith.constant 32 : i32
    %scan3A_530 = arith.addi %scan3A_528, %scan3A_529 : i32
    %scan3A_531 = arith.constant 1 : i32
    scf.for %scan3A_581 = %scan3A_528 to %scan3A_530 step %scan3A_531  : i32 {
      %mul3A_582 = arith.constant 16 : i32
      %mul3A_583 = arith.muli %scan3A_581, %mul3A_582 : i32
      %add3A_584 = arith.constant 0 : i32
      %add3A_585 = arith.addi %add3A_584, %mul3A_583 : i32
      %get3A_586 = arith.index_cast %add3A_585 : i32 to index
      %get3A_587 = tpu.vector_load %arg7[%get3A_586] {strides = array<i32>} : memref<13312xf32, #tpu.memory_space<vmem>>, vector<16xf32>,
      %add3A_588 = vector.broadcast %squeeze3A : f32 to vector<16xf32>
      %add3A_589 = arith.addf %add3A_588, %get3A_587 : vector<16xf32>
      %mul3A_590 = arith.constant 16 : i32
      %mul3A_591 = arith.muli %scan3A_581, %mul3A_590 : i32
      %add3A_592 = arith.constant 512 : i32
      %add3A_593 = arith.addi %add3A_592, %mul3A_591 : i32
      %get3A_594 = arith.index_cast %add3A_593 : i32 to index
      %get3A_595 = tpu.vector_load %arg7[%get3A_594] {strides = array<i32>} : memref<13312xf32, #tpu.memory_space<vmem>>, vector<16xf32>,
      %add3A_596 = arith.addf %add3A_589, %get3A_595 : vector<16xf32>
      %mul3A_597 = arith.constant 16 : i32
      %mul3A_598 = arith.muli %scan3A_581, %mul3A_597 : i32
      %add3A_599 = arith.constant 1024 : i32
      %add3A_600 = arith.addi %add3A_599, %mul3A_598 : i32
      %get3A_601 = arith.index_cast %add3A_600 : i32 to index
      %get3A_602 = tpu.vector_load %arg7[%get3A_601] {strides = array<i32>} : memref<13312xf32, #tpu.memory_space<vmem>>, vector<16xf32>,
      %add3A_603 = arith.addf %add3A_596, %get3A_602 : vector<16xf32>
      %mul3A_604 = arith.constant 16 : i32
      %mul3A_605 = arith.muli %scan3A_581, %mul3A_604 : i32
      %add3A_606 = arith.constant 1536 : i32
      %add3A_607 = arith.addi %add3A_606, %mul3A_605 : i32
      %get3A_608 = arith.index_cast %add3A_607 : i32 to index
      %get3A_609 = tpu.vector_load %arg7[%get3A_608] {strides = array<i32>} : memref<13312xf32, #tpu.memory_space<vmem>>, vector<16xf32>,
      %add3A_610 = arith.addf %add3A_603, %get3A_609 : vector<16xf32>
      %mul3A_611 = arith.constant 16 : i32
      %mul3A_612 = arith.muli %scan3A_581, %mul3A_611 : i32
      %add3A_613 = arith.constant 2048 : i32
      %add3A_614 = arith.addi %add3A_613, %mul3A_612 : i32
      %get3A_615 = arith.index_cast %add3A_614 : i32 to index
      %get3A_616 = tpu.vector_load %arg7[%get3A_615] {strides = array<i32>} : memref<13312xf32, #tpu.memory_space<vmem>>, vector<16xf32>,
      %add3A_617 = arith.addf %add3A_610, %get3A_616 : vector<16xf32>
      %mul3A_618 = arith.constant 16 : i32
      %mul3A_619 = arith.muli %scan3A_581, %mul3A_618 : i32
      %add3A_620 = arith.constant 2560 : i32
      %add3A_621 = arith.addi %add3A_620, %mul3A_619 : i32
      %get3A_622 = arith.index_cast %add3A_621 : i32 to index
      %get3A_623 = tpu.vector_load %arg7[%get3A_622] {strides = array<i32>} : memref<13312xf32, #tpu.memory_space<vmem>>, vector<16xf32>,
      %add3A_624 = arith.addf %add3A_617, %get3A_623 : vector<16xf32>
      %mul3A_625 = arith.constant 16 : i32
      %mul3A_626 = arith.muli %scan3A_581, %mul3A_625 : i32
      %add3A_627 = arith.constant 3072 : i32
      %add3A_628 = arith.addi %add3A_627, %mul3A_626 : i32
      %get3A_629 = arith.index_cast %add3A_628 : i32 to index
      %get3A_630 = tpu.vector_load %arg7[%get3A_629] {strides = array<i32>} : memref<13312xf32, #tpu.memory_space<vmem>>, vector<16xf32>,
      %add3A_631 = arith.addf %add3A_624, %get3A_630 : vector<16xf32>
      %mul3A_632 = arith.constant 16 : i32
      %mul3A_633 = arith.muli %scan3A_581, %mul3A_632 : i32
      %swap3A = arith.index_cast %mul3A_633 : i32 to index
      %swap3A_634 = tpu.vector_load %arg8[%swap3A] {strides = array<i32>} : memref<512xf32, #tpu.memory_space<vmem>>, vector<16xf32>,
      tpu.vector_store %arg8[%swap3A], %add3A_631 {strides = array<i32>} : memref<512xf32, #tpu.memory_space<vmem>>, vector<16xf32>,
    }
    %scan3A_532 = arith.constant 32 : i32
    %dma_wait3A_533 = arith.constant 0 : i32
    %dma_wait3A_534 = arith.constant 3584 : i32
    %dma_wait3A_535 = tpu.memref_slice %arg7[%dma_wait3A_534] : memref<13312xf32, #tpu.memory_space<vmem>> -> memref<3072xf32, #tpu.memory_space<vmem>>
    %dma_wait3A_536 = arith.constant 3584 : i32
    %dma_wait3A_537 = tpu.memref_slice %arg6[%dma_wait3A_536] : memref<13312xi32, #tpu.memory_space<vmem>> -> memref<3072xi32, #tpu.memory_space<vmem>>
    %dma_wait3A_538 = arith.constant 0 : i32
    %dma_wait3A_539 = tpu.memref_slice %arg3[%dma_wait3A_533, %dma_wait3A_538] : memref<1x1000012xf32, #tpu.memory_space<hbm>> -> memref<1x1000012xf32, #tpu.memory_space<hbm>>
    %dma_wait3A_540 = tpu.memref_squeeze %dma_wait3A_539 : memref<1x1000012xf32, #tpu.memory_space<hbm>> -> memref<1000012xf32, #tpu.memory_space<hbm>>
    %dma_wait3A_541 = arith.constant 0 : i32
    %dma_wait3A_542 = tpu.memref_slice %dma_wait3A_540[%dma_wait3A_541] : memref<1000012xf32, #tpu.memory_space<hbm>> -> memref<1000012xf32, #tpu.memory_space<hbm>>
    tpu.wait_indirect_dma semaphore(%arg12 : memref<!tpu.dma_semaphore, #tpu.memory_space<semaphore_mem>>) src(%dma_wait3A_542 : memref<1000012xf32, #tpu.memory_space<hbm>>) dst(%dma_wait3A_535 : memref<3072xf32, #tpu.memory_space<vmem>>)
    %scan3A_543 = arith.constant 0 : i32
    %scan3A_544 = arith.constant 0 : i32
    %scan3A_545 = arith.constant 32 : i32
    %scan3A_546 = arith.addi %scan3A_544, %scan3A_545 : i32
    %scan3A_547 = arith.constant 1 : i32
    scf.for %scan3A_581 = %scan3A_544 to %scan3A_546 step %scan3A_547  : i32 {
      %mul3A_582 = arith.constant 16 : i32
      %mul3A_583 = arith.muli %scan3A_581, %mul3A_582 : i32
      %get3A_584 = arith.index_cast %mul3A_583 : i32 to index
      %get3A_585 = tpu.vector_load %arg8[%get3A_584] {strides = array<i32>} : memref<512xf32, #tpu.memory_space<vmem>>, vector<16xf32>,
      %mul3A_586 = arith.constant 16 : i32
      %mul3A_587 = arith.muli %scan3A_581, %mul3A_586 : i32
      %add3A_588 = arith.constant 3584 : i32
      %add3A_589 = arith.addi %add3A_588, %mul3A_587 : i32
      %get3A_590 = arith.index_cast %add3A_589 : i32 to index
      %get3A_591 = tpu.vector_load %arg7[%get3A_590] {strides = array<i32>} : memref<13312xf32, #tpu.memory_space<vmem>>, vector<16xf32>,
      %add3A_592 = arith.addf %get3A_585, %get3A_591 : vector<16xf32>
      %mul3A_593 = arith.constant 16 : i32
      %mul3A_594 = arith.muli %scan3A_581, %mul3A_593 : i32
      %add3A_595 = arith.constant 4096 : i32
      %add3A_596 = arith.addi %add3A_595, %mul3A_594 : i32
      %get3A_597 = arith.index_cast %add3A_596 : i32 to index
      %get3A_598 = tpu.vector_load %arg7[%get3A_597] {strides = array<i32>} : memref<13312xf32, #tpu.memory_space<vmem>>, vector<16xf32>,
      %add3A_599 = arith.addf %add3A_592, %get3A_598 : vector<16xf32>
      %mul3A_600 = arith.constant 16 : i32
      %mul3A_601 = arith.muli %scan3A_581, %mul3A_600 : i32
      %add3A_602 = arith.constant 4608 : i32
      %add3A_603 = arith.addi %add3A_602, %mul3A_601 : i32
      %get3A_604 = arith.index_cast %add3A_603 : i32 to index
      %get3A_605 = tpu.vector_load %arg7[%get3A_604] {strides = array<i32>} : memref<13312xf32, #tpu.memory_space<vmem>>, vector<16xf32>,
      %add3A_606 = arith.addf %add3A_599, %get3A_605 : vector<16xf32>
      %mul3A_607 = arith.constant 16 : i32
      %mul3A_608 = arith.muli %scan3A_581, %mul3A_607 : i32
      %add3A_609 = arith.constant 5120 : i32
      %add3A_610 = arith.addi %add3A_609, %mul3A_608 : i32
      %get3A_611 = arith.index_cast %add3A_610 : i32 to index
      %get3A_612 = tpu.vector_load %arg7[%get3A_611] {strides = array<i32>} : memref<13312xf32, #tpu.memory_space<vmem>>, vector<16xf32>,
      %add3A_613 = arith.addf %add3A_606, %get3A_612 : vector<16xf32>
      %mul3A_614 = arith.constant 16 : i32
      %mul3A_615 = arith.muli %scan3A_581, %mul3A_614 : i32
      %add3A_616 = arith.constant 5632 : i32
      %add3A_617 = arith.addi %add3A_616, %mul3A_615 : i32
      %get3A_618 = arith.index_cast %add3A_617 : i32 to index
      %get3A_619 = tpu.vector_load %arg7[%get3A_618] {strides = array<i32>} : memref<13312xf32, #tpu.memory_space<vmem>>, vector<16xf32>,
      %add3A_620 = arith.addf %add3A_613, %get3A_619 : vector<16xf32>
      %mul3A_621 = arith.constant 16 : i32
      %mul3A_622 = arith.muli %scan3A_581, %mul3A_621 : i32
      %add3A_623 = arith.constant 6144 : i32
      %add3A_624 = arith.addi %add3A_623, %mul3A_622 : i32
      %get3A_625 = arith.index_cast %add3A_624 : i32 to index
      %get3A_626 = tpu.vector_load %arg7[%get3A_625] {strides = array<i32>} : memref<13312xf32, #tpu.memory_space<vmem>>, vector<16xf32>,
      %add3A_627 = arith.addf %add3A_620, %get3A_626 : vector<16xf32>
      %mul3A_628 = arith.constant 16 : i32
      %mul3A_629 = arith.muli %scan3A_581, %mul3A_628 : i32
      %swap3A = arith.index_cast %mul3A_629 : i32 to index
      %swap3A_630 = tpu.vector_load %arg8[%swap3A] {strides = array<i32>} : memref<512xf32, #tpu.memory_space<vmem>>, vector<16xf32>,
      tpu.vector_store %arg8[%swap3A], %add3A_627 {strides = array<i32>} : memref<512xf32, #tpu.memory_space<vmem>>, vector<16xf32>,
    }
    %scan3A_548 = arith.constant 32 : i32
    %dma_wait3A_549 = arith.constant 0 : i32
    %dma_wait3A_550 = arith.constant 6656 : i32
    %dma_wait3A_551 = tpu.memref_slice %arg7[%dma_wait3A_550] : memref<13312xf32, #tpu.memory_space<vmem>> -> memref<3584xf32, #tpu.memory_space<vmem>>
    %dma_wait3A_552 = arith.constant 6656 : i32
    %dma_wait3A_553 = tpu.memref_slice %arg6[%dma_wait3A_552] : memref<13312xi32, #tpu.memory_space<vmem>> -> memref<3584xi32, #tpu.memory_space<vmem>>
    %dma_wait3A_554 = arith.constant 0 : i32
    %dma_wait3A_555 = tpu.memref_slice %arg3[%dma_wait3A_549, %dma_wait3A_554] : memref<1x1000012xf32, #tpu.memory_space<hbm>> -> memref<1x1000012xf32, #tpu.memory_space<hbm>>
    %dma_wait3A_556 = tpu.memref_squeeze %dma_wait3A_555 : memref<1x1000012xf32, #tpu.memory_space<hbm>> -> memref<1000012xf32, #tpu.memory_space<hbm>>
    %dma_wait3A_557 = arith.constant 0 : i32
    %dma_wait3A_558 = tpu.memref_slice %dma_wait3A_556[%dma_wait3A_557] : memref<1000012xf32, #tpu.memory_space<hbm>> -> memref<1000012xf32, #tpu.memory_space<hbm>>
    tpu.wait_indirect_dma semaphore(%arg13 : memref<!tpu.dma_semaphore, #tpu.memory_space<semaphore_mem>>) src(%dma_wait3A_558 : memref<1000012xf32, #tpu.memory_space<hbm>>) dst(%dma_wait3A_551 : memref<3584xf32, #tpu.memory_space<vmem>>)
    %scan3A_559 = arith.constant 0 : i32
    %scan3A_560 = arith.constant 0 : i32
    %scan3A_561 = arith.constant 32 : i32
    %scan3A_562 = arith.addi %scan3A_560, %scan3A_561 : i32
    %scan3A_563 = arith.constant 1 : i32
    scf.for %scan3A_581 = %scan3A_560 to %scan3A_562 step %scan3A_563  : i32 {
      %mul3A_582 = arith.constant 16 : i32
      %mul3A_583 = arith.muli %scan3A_581, %mul3A_582 : i32
      %get3A_584 = arith.index_cast %mul3A_583 : i32 to index
      %get3A_585 = tpu.vector_load %arg8[%get3A_584] {strides = array<i32>} : memref<512xf32, #tpu.memory_space<vmem>>, vector<16xf32>,
      %mul3A_586 = arith.constant 16 : i32
      %mul3A_587 = arith.muli %scan3A_581, %mul3A_586 : i32
      %add3A_588 = arith.constant 6656 : i32
      %add3A_589 = arith.addi %add3A_588, %mul3A_587 : i32
      %get3A_590 = arith.index_cast %add3A_589 : i32 to index
      %get3A_591 = tpu.vector_load %arg7[%get3A_590] {strides = array<i32>} : memref<13312xf32, #tpu.memory_space<vmem>>, vector<16xf32>,
      %add3A_592 = arith.addf %get3A_585, %get3A_591 : vector<16xf32>
      %mul3A_593 = arith.constant 16 : i32
      %mul3A_594 = arith.muli %scan3A_581, %mul3A_593 : i32
      %add3A_595 = arith.constant 7168 : i32
      %add3A_596 = arith.addi %add3A_595, %mul3A_594 : i32
      %get3A_597 = arith.index_cast %add3A_596 : i32 to index
      %get3A_598 = tpu.vector_load %arg7[%get3A_597] {strides = array<i32>} : memref<13312xf32, #tpu.memory_space<vmem>>, vector<16xf32>,
      %add3A_599 = arith.addf %add3A_592, %get3A_598 : vector<16xf32>
      %mul3A_600 = arith.constant 16 : i32
      %mul3A_601 = arith.muli %scan3A_581, %mul3A_600 : i32
      %add3A_602 = arith.constant 7680 : i32
      %add3A_603 = arith.addi %add3A_602, %mul3A_601 : i32
      %get3A_604 = arith.index_cast %add3A_603 : i32 to index
      %get3A_605 = tpu.vector_load %arg7[%get3A_604] {strides = array<i32>} : memref<13312xf32, #tpu.memory_space<vmem>>, vector<16xf32>,
      %add3A_606 = arith.addf %add3A_599, %get3A_605 : vector<16xf32>
      %mul3A_607 = arith.constant 16 : i32
      %mul3A_608 = arith.muli %scan3A_581, %mul3A_607 : i32
      %add3A_609 = arith.constant 8192 : i32
      %add3A_610 = arith.addi %add3A_609, %mul3A_608 : i32
      %get3A_611 = arith.index_cast %add3A_610 : i32 to index
      %get3A_612 = tpu.vector_load %arg7[%get3A_611] {strides = array<i32>} : memref<13312xf32, #tpu.memory_space<vmem>>, vector<16xf32>,
      %add3A_613 = arith.addf %add3A_606, %get3A_612 : vector<16xf32>
      %mul3A_614 = arith.constant 16 : i32
      %mul3A_615 = arith.muli %scan3A_581, %mul3A_614 : i32
      %add3A_616 = arith.constant 8704 : i32
      %add3A_617 = arith.addi %add3A_616, %mul3A_615 : i32
      %get3A_618 = arith.index_cast %add3A_617 : i32 to index
      %get3A_619 = tpu.vector_load %arg7[%get3A_618] {strides = array<i32>} : memref<13312xf32, #tpu.memory_space<vmem>>, vector<16xf32>,
      %add3A_620 = arith.addf %add3A_613, %get3A_619 : vector<16xf32>
      %mul3A_621 = arith.constant 16 : i32
      %mul3A_622 = arith.muli %scan3A_581, %mul3A_621 : i32
      %add3A_623 = arith.constant 9216 : i32
      %add3A_624 = arith.addi %add3A_623, %mul3A_622 : i32
      %get3A_625 = arith.index_cast %add3A_624 : i32 to index
      %get3A_626 = tpu.vector_load %arg7[%get3A_625] {strides = array<i32>} : memref<13312xf32, #tpu.memory_space<vmem>>, vector<16xf32>,
      %add3A_627 = arith.addf %add3A_620, %get3A_626 : vector<16xf32>
      %mul3A_628 = arith.constant 16 : i32
      %mul3A_629 = arith.muli %scan3A_581, %mul3A_628 : i32
      %add3A_630 = arith.constant 9728 : i32
      %add3A_631 = arith.addi %add3A_630, %mul3A_629 : i32
      %get3A_632 = arith.index_cast %add3A_631 : i32 to index
      %get3A_633 = tpu.vector_load %arg7[%get3A_632] {strides = array<i32>} : memref<13312xf32, #tpu.memory_space<vmem>>, vector<16xf32>,
      %add3A_634 = arith.addf %add3A_627, %get3A_633 : vector<16xf32>
      %mul3A_635 = arith.constant 16 : i32
      %mul3A_636 = arith.muli %scan3A_581, %mul3A_635 : i32
      %swap3A = arith.index_cast %mul3A_636 : i32 to index
      %swap3A_637 = tpu.vector_load %arg8[%swap3A] {strides = array<i32>} : memref<512xf32, #tpu.memory_space<vmem>>, vector<16xf32>,
      tpu.vector_store %arg8[%swap3A], %add3A_634 {strides = array<i32>} : memref<512xf32, #tpu.memory_space<vmem>>, vector<16xf32>,
    }
    %scan3A_564 = arith.constant 32 : i32
    %dma_wait3A_565 = arith.constant 0 : i32
    %dma_wait3A_566 = arith.constant 10240 : i32
    %dma_wait3A_567 = tpu.memref_slice %arg7[%dma_wait3A_566] : memref<13312xf32, #tpu.memory_space<vmem>> -> memref<3072xf32, #tpu.memory_space<vmem>>
    %dma_wait3A_568 = arith.constant 10240 : i32
    %dma_wait3A_569 = tpu.memref_slice %arg6[%dma_wait3A_568] : memref<13312xi32, #tpu.memory_space<vmem>> -> memref<3072xi32, #tpu.memory_space<vmem>>
    %dma_wait3A_570 = arith.constant 0 : i32
    %dma_wait3A_571 = tpu.memref_slice %arg3[%dma_wait3A_565, %dma_wait3A_570] : memref<1x1000012xf32, #tpu.memory_space<hbm>> -> memref<1x1000012xf32, #tpu.memory_space<hbm>>
    %dma_wait3A_572 = tpu.memref_squeeze %dma_wait3A_571 : memref<1x1000012xf32, #tpu.memory_space<hbm>> -> memref<1000012xf32, #tpu.memory_space<hbm>>
    %dma_wait3A_573 = arith.constant 0 : i32
    %dma_wait3A_574 = tpu.memref_slice %dma_wait3A_572[%dma_wait3A_573] : memref<1000012xf32, #tpu.memory_space<hbm>> -> memref<1000012xf32, #tpu.memory_space<hbm>>
    tpu.wait_indirect_dma semaphore(%arg14 : memref<!tpu.dma_semaphore, #tpu.memory_space<semaphore_mem>>) src(%dma_wait3A_574 : memref<1000012xf32, #tpu.memory_space<hbm>>) dst(%dma_wait3A_567 : memref<3072xf32, #tpu.memory_space<vmem>>)
    %scan3A_575 = arith.constant 0 : i32
    %scan3A_576 = arith.constant 0 : i32
    %scan3A_577 = arith.constant 32 : i32
    %scan3A_578 = arith.addi %scan3A_576, %scan3A_577 : i32
    %scan3A_579 = arith.constant 1 : i32
    scf.for %scan3A_581 = %scan3A_576 to %scan3A_578 step %scan3A_579  : i32 {
      %mul3A_582 = arith.constant 16 : i32
      %mul3A_583 = arith.muli %scan3A_581, %mul3A_582 : i32
      %get3A_584 = arith.index_cast %mul3A_583 : i32 to index
      %get3A_585 = tpu.vector_load %arg8[%get3A_584] {strides = array<i32>} : memref<512xf32, #tpu.memory_space<vmem>>, vector<16xf32>,
      %mul3A_586 = arith.constant 16 : i32
      %mul3A_587 = arith.muli %scan3A_581, %mul3A_586 : i32
      %add3A_588 = arith.constant 10240 : i32
      %add3A_589 = arith.addi %add3A_588, %mul3A_587 : i32
      %get3A_590 = arith.index_cast %add3A_589 : i32 to index
      %get3A_591 = tpu.vector_load %arg7[%get3A_590] {strides = array<i32>} : memref<13312xf32, #tpu.memory_space<vmem>>, vector<16xf32>,
      %add3A_592 = arith.addf %get3A_585, %get3A_591 : vector<16xf32>
      %mul3A_593 = arith.constant 16 : i32
      %mul3A_594 = arith.muli %scan3A_581, %mul3A_593 : i32
      %add3A_595 = arith.constant 10752 : i32
      %add3A_596 = arith.addi %add3A_595, %mul3A_594 : i32
      %get3A_597 = arith.index_cast %add3A_596 : i32 to index
      %get3A_598 = tpu.vector_load %arg7[%get3A_597] {strides = array<i32>} : memref<13312xf32, #tpu.memory_space<vmem>>, vector<16xf32>,
      %add3A_599 = arith.addf %add3A_592, %get3A_598 : vector<16xf32>
      %mul3A_600 = arith.constant 16 : i32
      %mul3A_601 = arith.muli %scan3A_581, %mul3A_600 : i32
      %add3A_602 = arith.constant 11264 : i32
      %add3A_603 = arith.addi %add3A_602, %mul3A_601 : i32
      %get3A_604 = arith.index_cast %add3A_603 : i32 to index
      %get3A_605 = tpu.vector_load %arg7[%get3A_604] {strides = array<i32>} : memref<13312xf32, #tpu.memory_space<vmem>>, vector<16xf32>,
      %add3A_606 = arith.addf %add3A_599, %get3A_605 : vector<16xf32>
      %mul3A_607 = arith.constant 16 : i32
      %mul3A_608 = arith.muli %scan3A_581, %mul3A_607 : i32
      %add3A_609 = arith.constant 11776 : i32
      %add3A_610 = arith.addi %add3A_609, %mul3A_608 : i32
      %get3A_611 = arith.index_cast %add3A_610 : i32 to index
      %get3A_612 = tpu.vector_load %arg7[%get3A_611] {strides = array<i32>} : memref<13312xf32, #tpu.memory_space<vmem>>, vector<16xf32>,
      %add3A_613 = arith.addf %add3A_606, %get3A_612 : vector<16xf32>
      %mul3A_614 = arith.constant 16 : i32
      %mul3A_615 = arith.muli %scan3A_581, %mul3A_614 : i32
      %add3A_616 = arith.constant 12288 : i32
      %add3A_617 = arith.addi %add3A_616, %mul3A_615 : i32
      %get3A_618 = arith.index_cast %add3A_617 : i32 to index
      %get3A_619 = tpu.vector_load %arg7[%get3A_618] {strides = array<i32>} : memref<13312xf32, #tpu.memory_space<vmem>>, vector<16xf32>,
      %add3A_620 = arith.addf %add3A_613, %get3A_619 : vector<16xf32>
      %mul3A_621 = arith.constant 16 : i32
      %mul3A_622 = arith.muli %scan3A_581, %mul3A_621 : i32
      %add3A_623 = arith.constant 12800 : i32
      %add3A_624 = arith.addi %add3A_623, %mul3A_622 : i32
      %get3A_625 = arith.index_cast %add3A_624 : i32 to index
      %get3A_626 = tpu.vector_load %arg7[%get3A_625] {strides = array<i32>} : memref<13312xf32, #tpu.memory_space<vmem>>, vector<16xf32>,
      %add3A_627 = arith.addf %add3A_620, %get3A_626 : vector<16xf32>
      %mul3A_628 = arith.constant 16 : i32
      %mul3A_629 = arith.muli %scan3A_581, %mul3A_628 : i32
      %swap3A = arith.index_cast %mul3A_629 : i32 to index
      %swap3A_630 = tpu.vector_load %arg8[%swap3A] {strides = array<i32>} : memref<512xf32, #tpu.memory_space<vmem>>, vector<16xf32>,
      tpu.vector_store %arg8[%swap3A], %add3A_627 {strides = array<i32>} : memref<512xf32, #tpu.memory_space<vmem>>, vector<16xf32>,
    }
    %scan3A_580 = arith.constant 32 : i32
    "tpu.region"() ({
      %run_scoped3A = tpu.sem_alloc : memref<!tpu.dma_semaphore, #tpu.memory_space<semaphore_mem>>
      %dma_start3A_581 = tpu.memref_slice %arg5[%mul3A_2] : memref<16384xf32, #tpu.memory_space<hbm>> -> memref<512xf32, #tpu.memory_space<hbm>>
      %dma_start3A_582 = tpu.memref_slice %arg5[%mul3A_2] : memref<16384xf32, #tpu.memory_space<hbm>> -> memref<512xf32, #tpu.memory_space<hbm>>
      tpu.enqueue_dma source(%arg8 : memref<512xf32, #tpu.memory_space<vmem>>) target(%dma_start3A_582 : memref<512xf32, #tpu.memory_space<hbm>>) target_semaphore(%run_scoped3A : memref<!tpu.dma_semaphore, #tpu.memory_space<semaphore_mem>>)
      %dma_wait3A_583 = tpu.memref_slice %arg5[%mul3A_2] : memref<16384xf32, #tpu.memory_space<hbm>> -> memref<512xf32, #tpu.memory_space<hbm>>
      %dma_wait3A_584 = tpu.memref_slice %arg5[%mul3A_2] : memref<16384xf32, #tpu.memory_space<hbm>> -> memref<512xf32, #tpu.memory_space<hbm>>
      tpu.wait_dma2 semaphore(%run_scoped3A : memref<!tpu.dma_semaphore, #tpu.memory_space<semaphore_mem>>) src(%arg8 : memref<512xf32, #tpu.memory_space<vmem>>) dst(%dma_wait3A_584 : memref<512xf32, #tpu.memory_space<hbm>>)
      tpu.yield
    }) : () -> ()
    return
  }
}

</mosaic_0001>

<sc_bundles>
// kernel: kernel.3.cloned.1.call-start
scs
__scs_entry_jumppad:
0x0: {  	(pc) =	sbr.rel $0x88, $3  }
0x1: {  	(tag) =	ssettag $0x0;
	lr =	simm.s32 $0x1  }
0x2: {  	[smem:$0x3F9E] =	sst lr;
	_ =	strace $0xD0000000  }
0x3: {  	_ = 	snop  }
0x4: {  	_ = 	snop  }
0x5: {  	_ = 	snop  }
0x6: {  	_ = 	snop  }
0x7: {  	_ = 	snop  }
__scs_overlays_trampoline_lowered:
0x8: {  	[smem:$0x3FAD] =	sst s0  }
0x9: {  	[smem:$0x3FAE] =	sst s1  }
0xa: {  	[smem:$0x3FAF] =	sst s2  }
0xb: {  	[smem:$0x3FB0] =	sst s3  }
0xc: {  	[smem:$0x3FB1] =	sst s4  }
0xd: {  	[smem:$0x3FB2] =	sst s5  }
0xe: {  	[smem:$0x3FB3] =	sst s6  }
0xf: {  	[smem:$0x3FB4] =	sst s7  }
0x10: {  	[smem:$0x3FB5] =	sst s8  }
0x11: {  	[smem:$0x3FB6] =	sst s9;
	s0 =	simm.s32 @!p0 $0x0  }
0x12: {  	s1 =	sld [smem:$0x3F9C];
	s0 =	simm.s32 @p0 $0x1  }
0x13: {  	[smem:$0x3FB7] =	sst s0;
	s0 =	simm.s32 @!p1 $0x0  }
0x14: {  	s2 =	sld [smem:$0x3F9B];
	s0 =	simm.s32 @p1 $0x1  }
0x15: {  	[smem:$0x3FB8] =	sst s0;
	s0 =	simm.s32 @!p2 $0x0  }
0x16: {  	s3 =	sld [smem:$0x3FDB];
	s0 =	simm.s32 @p2 $0x1  }
0x17: {  	s4 =	simm.s32 $0x1BF5;
	[smem:$0x3FBA] =	sst s0  }
0x18: {  	s0 =	sld [smem:$0x3F9D];
	_ =	swait.ge [sflag:s4], $0x0  }
0x19: {  	s7 =	sld [smem:$0x3F9E]  }
0x1a: {  	s8 =	sadd.s32 $0xFFFFE003, lr  }
0x1b: {  	s9 =	sadd.s32 $0xFFFFFEF7, lr;
	s5 =	simm.s32 $0xFFFFFFFF;
	p2 =	slt.u32 s8, $0xFFFFF086  }
0x1c: {  	p1 =	slt.u32 s9, $0xF7A;
	s5 =	simm.s32 @!p2 $0x0  }
0x1d: {  	s5 =	simm.s32 @p1 $0x1;
	p0 =	seq.s32 s7, s2  }
0x1e: {  	s7 =	smul.u32 @!p0 $0xF7A, s2;
	p2 =	seq.s32 @!p0 s5, $0x0  }
0x1f: {  	s9 =	smul.u32 $0xF7A, s1;
	s8 =	simm.s32 @!p0 $0x1BF5;
	p2 =	por !p2, p0  }
0x20: {  	[sflag:s8] =	ssyncset.s32 @!p0 $0xFFFFF086;
	s6 =	sadd.s32 @!p0 s3, s7;
	s7 =	simm.s32 @!p0 $0x108  }
0x21: {  	s3 =	sadd.s32 s3, s9;
	s6 =	sadd.s32 @!p0 $0x88, s6;
	s7 =	simm.s32 @p2 $0x1082  }
0x22: {  	[simem:s7], [sflag:s8] =	dma.local @!p0 [hbm:s6], $0xF7A  }
0x23: {  	s9 =	sor.u32 $0xD0000000, s2;
	s6 =	simm.s32 $0x108;
	_ =	swait.ge @!p0 [sflag:s8], $0x0  }
0x24: {  	s3 =	sadd.s32 $0x88, s3;
	s6 =	simm.s32 @!p1 $0x1082;
	[sflag:s4] =	ssyncset.s32 $0xFFFFF086  }
0x25: {  	[simem:s6], [sflag:s4] =	dma.local [hbm:s3], $0xF7A  }
0x26: {  	[smem:$0x3F9E] =	sst s1;
	(tag) =	ssettag s2;
	_ =	strace s9  }
0x27: {  	s1 =	sld [smem:$0x3FAE]  }
0x28: {  	s2 =	sld [smem:$0x3FAF]  }
0x29: {  	s4 =	sld [smem:$0x3FB1]  }
0x2a: {  	p0 =	seq.s32 s5, $0x0;
	s5 =	sld [smem:$0x3FB2]  }
0x2b: {  	s6 =	sld [smem:$0x3FB3]  }
0x2c: {  	s7 =	sld [smem:$0x3FB4]  }
0x2d: {  	s3 =	simm.s32 $0x108;
	s8 =	sld [smem:$0x3FB5]  }
0x2e: {  	s3 =	simm.s32 @!p0 $0x1082;
	s9 =	sld [smem:$0x3FB6]  }
0x2f: {  	lr =	sadd.s32 s0, s3;
	s0 =	sld [smem:$0x3FAD]  }
0x30: {  	s3 =	sld [smem:$0x3FB0]  }
0x31: {  	[smem:$0x3FB9] =	sst s10  }
0x32: {  	s10 =	sld [smem:$0x3FB7];
	_ =	sdelay $0x3  }
0x33: {  	p0 =	seq.s32 s10, $0x1;
	s10 =	sld [smem:$0x3FB9];
	_ =	sdelay $0x3  }
0x34: {  	[smem:$0x3FB9] =	sst s10  }
0x35: {  	s10 =	sld [smem:$0x3FB8];
	_ =	sdelay $0x3  }
0x36: {  	p1 =	seq.s32 s10, $0x1;
	s10 =	sld [smem:$0x3FB9];
	_ =	sdelay $0x3  }
0x37: {  	[smem:$0x3FB9] =	sst s10  }
0x38: {  	s10 =	sld [smem:$0x3FBA]  }
0x39: {  	_ = 	snop;
	(pc) =	sbr.ind lr, $3  }
0x3a: {  	_ = 	snop  }
0x3b: {  	_ = 	snop  }
0x3c: {  	p2 =	seq.s32 s10, $0x1;
	s10 =	sld [smem:$0x3FB9]  }
0x3d: {  	_ =	shalt  }
0x3e: {  	_ =	shalt  }
0x3f: {  	_ =	shalt  }
0x40: {  	_ =	shalt  }
0x41: {  	_ =	shalt  }
0x42: {  	_ =	shalt  }
0x43: {  	_ =	shalt  }
0x44: {  	_ =	shalt  }
0x45: {  	_ =	shalt  }
0x46: {  	_ =	shalt  }
0x47: {  	_ =	shalt  }
0x48: {  	_ =	shalt  }
0x49: {  	_ =	shalt  }
0x4a: {  	_ =	shalt  }
0x4b: {  	_ =	shalt  }
0x4c: {  	_ =	shalt  }
0x4d: {  	_ =	shalt  }
0x4e: {  	_ =	shalt  }
0x4f: {  	_ =	shalt  }
0x50: {  	_ =	shalt  }
0x51: {  	_ =	shalt  }
0x52: {  	_ =	shalt  }
0x53: {  	_ =	shalt  }
0x54: {  	_ =	shalt  }
0x55: {  	_ =	shalt  }
0x56: {  	_ =	shalt  }
0x57: {  	_ =	shalt  }
0x58: {  	_ =	shalt  }
0x59: {  	_ =	shalt  }
0x5a: {  	_ =	shalt  }
0x5b: {  	_ =	shalt  }
0x5c: {  	_ =	shalt  }
0x5d: {  	_ =	shalt  }
0x5e: {  	_ =	shalt  }
0x5f: {  	_ =	shalt  }
0x60: {  	_ =	shalt  }
0x61: {  	_ =	shalt  }
0x62: {  	_ =	shalt  }
0x63: {  	_ =	shalt  }
0x64: {  	_ =	shalt  }
0x65: {  	_ =	shalt  }
0x66: {  	_ =	shalt  }
0x67: {  	_ =	shalt  }
0x68: {  	_ =	shalt  }
0x69: {  	_ =	shalt  }
0x6a: {  	_ =	shalt  }
0x6b: {  	_ =	shalt  }
0x6c: {  	_ =	shalt  }
0x6d: {  	_ =	shalt  }
0x6e: {  	_ =	shalt  }
0x6f: {  	_ =	shalt  }
0x70: {  	_ =	shalt  }
0x71: {  	_ =	shalt  }
0x72: {  	_ =	shalt  }
0x73: {  	_ =	shalt  }
0x74: {  	_ =	shalt  }
0x75: {  	_ =	shalt  }
0x76: {  	_ =	shalt  }
0x77: {  	_ =	shalt  }
0x78: {  	_ =	shalt  }
0x79: {  	_ =	shalt  }
0x7a: {  	_ =	shalt  }
0x7b: {  	_ =	shalt  }
0x7c: {  	_ =	shalt  }
0x7d: {  	_ =	shalt  }
0x7e: {  	_ =	shalt  }
0x7f: {  	_ =	shalt  }
0x80: {  	_ =	shalt  }
0x81: {  	_ =	shalt  }
0x82: {  	_ =	shalt  }
0x83: {  	_ =	shalt  }
0x84: {  	_ =	shalt  }
0x85: {  	_ =	shalt  }
0x86: {  	_ =	shalt  }
0x87: {  	_ =	shalt  }
.Lfunc_end0:
.L_simem_size_0:
called_computation_lowered:
.L_overlay_start_0:
0x88: {  	s2 =	sld [smem:$0x3FD9]  }
0x89: {  	s3 =	sld [smem:$0x3FFE];
	_ =	sdelay $0x1  }
0x8a: {  	s1 =	srdreg.scid  }
0x8b: {  	s0 =	sand.u32 $0x1, s1  }
0x8c: {  	s18 =	sshll.u32 s0, $0xA;
	s2 =	sadd.s32 s3, s2  }
0x8d: {  	s2 =	sadd.s32 s2, s18  }
0x8e: {  	[smem:$0x3FC5] =	sst s2  }
0x8f: {  	_ = 	snop  }
0x90: {  	s2 =	sld [smem:$0x3FC9]  }
0x91: {  	s19 =	sld [smem:$0x3FC8]  }
0x92: {  	s4 =	sld [smem:$0x3FC7]  }
0x93: {  	s5 =	sld [smem:$0x3FD0];
	(tm) =	ssettm $0x1  }
0x94: {  	s6 =	sld [smem:$0x3FFB];
	_ =	sdelay $0x3  }
0x95: {  	_ =	strace s6  }
0x96: {  	s6 =	sld [smem:$0x3FFC];
	_ =	sdelay $0x3  }
0x97: {  	_ =	strace s6  }
0x98: {  	s6 =	sld [smem:$0x3FFD];
	_ =	sdelay $0x3  }
0x99: {  	_ =	strace s6  }
0x9a: {  	_ =	strace $0x8FFFFFFF  }
0x9b: {  	s20 =	sld [smem:$0x3FDB];
	_ =	sdelay $0x1  }
0x9c: {  	s7 =	simm.s32 $_scs_section_size  }
0x9d: {  	s8 =	simm.s32 $_size__tile_overlayer_lowered;
	s9 =	simm.s32 $_tile_overlayer_lowered  }
0x9e: {  	s23 =	simm.s32 $0x1BFF;
	s22 =	sshll.u32 s9, $0x1;
	s6 =	sadd.s32 s7, s20  }
0x9f: {  	s10 =	simm.s32 $0x0;
	s21 =	sshll.u32 s8, $0x1;
	s8 =	sadd.s32 s22, s6  }
0xa0: {  	[timem:s10], [sflag:s23] =	dma.local [hbm:s8], s21  }
0xa1: {  	_ =	swait.ge [sflag:s23], s21  }
0xa2: {  	s7 =	ssub.s32 $0x0, s21;
	[sflag:s23] =	ssyncset.done $0x0  }
0xa3: {  	[sflag:s23] =	ssyncadd.s32 s7;
	_ =	sdelay $0x1  }
0xa4: {  	s24 =	simm.s32 $0x1B8B  }
0xa5: {  	_ =	swait.ge [sflag:s24], $0x1  }
0xa6: {  	[sflag:s24] =	ssyncset.done $0x0  }
0xa7: {  	s25 =	simm.s32 $0x1B8E;
	[sflag:s24] =	ssyncadd.s32 $0xFFFFFFFF  }
0xa8: {  	s26 =	simm.s32 $execute0_lowered;
	[smem:$0x3FD2] =	sst s25  }
0xa9: {  	s7 =	sshll.u32 s26, $0x1;
	_ =	strace $0x80000046;
	[dreg:$0x1] =	wrdreg $0xFFFFFFFF  }
0xaa: {  	s28 =	simm.s32 $_size_execute0_lowered;
	s6 =	sadd.s32 s6, s7;
	[dreg:$0x0] =	wrdreg $0x0  }
0xab: {  	s7 =	sshll.u32 s28, $0x1;
	[dreg:$0x2] =	wrdreg s6  }
0xac: {  	[dreg:$0x3] =	wrdreg s7  }
0xad: {  	[dreg:$0x4] =	wrdreg $0xC0  }
0xae: {  	_ =	task [dreg:s10], $0x5FFFF  }
0xaf: {  	[dreg:$0x1] =	wrdreg $0xFFFFFFFF  }
0xb0: {  	[dreg:$0x0] =	wrdreg $0x60  }
0xb1: {  	[dreg:$0x2] =	wrdreg s2  }
0xb2: {  	[dreg:$0x3] =	wrdreg s19  }
0xb3: {  	[dreg:$0x4] =	wrdreg s4  }
0xb4: {  	[dreg:$0x5] =	wrdreg s5  }
0xb5: {  	[dreg:$0x6] =	wrdreg $0x9  }
0xb6: {  	_ =	task.clear_ibuf [dreg:s10], $0x7FFFF;
	_ =	strace $0x90000046  }
0xb7: {  	s29 =	simm.s32 $0x9;
	_ =	strace $0x80000048  }
0xb8: {  	_ =	swait.ge [sflag:s29], $0x1  }
0xb9: {  	[sflag:s29] =	ssyncadd.s32 $0xFFFFFFFF  }
0xba: {  	_ =	strace $0x90000048  }
0xbb: {  	_ =	sfence  }
0xbc: {  	s30 =	sld [smem:$0x0];
	_ =	sdelay $0x2  }
0xbd: {  	s31 =	sshll.u32 s1, $0xD;
	s1 =	sshrl.u32 s1, $0x2  }
0xbe: {  	s3 =	sand.u32 $0x4000, s31;
	s1 =	sadd.s32 s1, s30  }
0xbf: {  	s0 =	sor.u32 s3, s0;
	s1 =	sshll.u32 s1, $0x11  }
0xc0: {  	s0 =	sor.u32 s1, s0  }
0xc1: {  	s0 =	sadd.s32 $0x8F2B, s0  }
0xc2: {  	[sflag:s0] =	ssyncadd.remote.s32 $0x1  }
0xc3: {  	_ =	sfence.sel $0xFFFF  }
0xc4: {  	[dreg:$0x0] =	wrdreg $0xFFFFFFFF;
	(pc) =	sbr.abs _section_cstart, $3  }
0xc5: {  	[dreg:$0x1] =	wrdreg $0xFFFFFFFF  }
0xc6: {  	_ =	task.clear_ibuf [dreg:s10], $0x2FFFF;
	_ =	strace $0x9FFFFFFF  }
0xc7: {  	(tm) =	ssettm $0x7FFFFFFF  }
tec
execute0_lowered:
.L_overlay_start_1:
0x0: {  	(tag) =	ssettag $0x1  }
0x1: {  	s1 =	srdreg.scid  }
0x2: {  	s4 =	stileid.u32;
	s1 =	sand.u32 $0x1, s1  }
0x3: {  	s0 =	rddreg [dreg:$0x0];
	s5 =	sshll.u32 s4, $0xA;
	s6 =	sshll.u32 s1, $0x9  }
0x4: {  	s2 =	rddreg [dreg:$0x1];
	s6 =	sor.u32 s6, s5  }
0x5: {  	s3 =	rddreg [dreg:$0x3];
	s4 =	simm.s32 $0x0;
	s5 =	sadd.s32 s0, s6  }
0x6: {  	[smem:$0x7FF] =	sst s4;
	s8 =	sadd.s32 $0x10, s5  }
0x7: {  	_ =	strace $0x80000047;
	s9 =	sadd.s32 $0x20, s5;
	[dreg:$0x5] =	wrdreg s8  }
0x8: {  	s10 =	sadd.s32 $0x30, s5;
	[dreg:$0x6] =	wrdreg s9  }
0x9: {  	s11 =	sadd.s32 $0x40, s5;
	[dreg:$0x7] =	wrdreg s10  }
0xa: {  	s12 =	sadd.s32 $0x50, s5;
	[dreg:$0x8] =	wrdreg s11  }
0xb: {  	s13 =	sadd.s32 $0x60, s5;
	[dreg:$0x9] =	wrdreg s12  }
0xc: {  	s14 =	sadd.s32 $0x70, s5;
	[dreg:$0xa] =	wrdreg s13  }
0xd: {  	s15 =	sadd.s32 $0x4000, s5;
	[dreg:$0xb] =	wrdreg s14  }
0xe: {  	s16 =	sadd.s32 $0x4010, s5;
	[dreg:$0xc] =	wrdreg s15  }
0xf: {  	s1 =	ssub.s32 $0x2, s1;
	s17 =	sadd.s32 $0x4020, s5;
	[dreg:$0xd] =	wrdreg s16  }
0x10: {  	s7 =	sshrl.u32 s1, $0x1;
	s18 =	sadd.s32 $0x4030, s5;
	[dreg:$0xe] =	wrdreg s17  }
0x11: {  	s7 =	ssub.s32 s1, s7;
	s19 =	sadd.s32 $0x4040, s5;
	[dreg:$0xf] =	wrdreg s18  }
0x12: {  	s23 =	sshrl.u32 s6, $0x3;
	s20 =	sadd.s32 $0x4050, s5;
	[dreg:$0x10] =	wrdreg s19  }
0x13: {  	s6 =	simm.s32 $0x400;
	s21 =	sadd.s32 $0x4060, s5;
	[dreg:$0x11] =	wrdreg s20  }
0x14: {  	s22 =	sadd.s32 $0x4070, s5;
	s24 =	sadd.s32 $0x8000, s5;
	[dreg:$0x12] =	wrdreg s21  }
0x15: {  	s25 =	sadd.s32 $0x8010, s5;
	s1 =	sadd.s32 s3, s23;
	[dreg:$0x13] =	wrdreg s22  }
0x16: {  	s26 =	sadd.s32 $0x8020, s5;
	s28 =	sadd.s32 $0x8040, s5;
	[dreg:$0x14] =	wrdreg s24  }
0x17: {  	s29 =	sadd.s32 $0x8050, s5;
	s30 =	sadd.s32 $0x8060, s5;
	[dreg:$0x15] =	wrdreg s25  }
0x18: {  	s31 =	sadd.s32 $0x8070, s5;
	s0 =	sadd.s32 $0xC000, s5;
	[dreg:$0x16] =	wrdreg s1  }
0x19: {  	s3 =	simm.s32 $0x80;
	[dreg:$0x17] =	wrdreg s26;
	s25 =	smax.u32 s7, $0x1  }
0x1a: {  	s26 =	sadd.s32 $0x8030, s5;
	s1 =	sadd.s32 $0xC010, s5;
	s7 =	simm.s32 $0xC00  }
0x1b: {  	s8 =	simm.s32 $0xE00;
	s9 =	simm.s32 $0x1A00;
	s10 =	simm.s32 $0x2800  }
0x1c: {  	s11 =	simm.s32 $0x1;
	s12 =	simm.s32 $0x6;
	s13 =	simm.s32 $0x2  }
0x1d: {  	s14 =	simm.s32 $0x3;
	s15 =	simm.s32 $0x4;
	s16 =	simm.s32 $0x5  }
0x1e: {  	s17 =	simm.s32 $0x6800;
	s18 =	simm.s32 $0x7;
	s19 =	simm.s32 $0x0  }
.LBB2_1:
0x1f: {  	s20 =	rddreg [dreg:$0x2];
	s21 =	simm.s32 $0x6A00  }
0x20: {  	[tilespmem:s21], [sflag:$0x6] =	stream.linear.gather [hbm4b:s20+s4], $0x1, $0x38;
	[tilespmem:$0x6A80] =	vst v63  }
0x21: {  	_ = 	snop  }
0x22: {  	[tilespmem:s4], [sflag:$0x1] =	stream.strided.gather [hbm4b:s5+s3], $0x200, s6, s3, $0x38;
	[tilespmem:$0x6A80] =	vst v63  }
0x23: {  	s23 =	rddreg [dreg:$0x5];
	s24 =	simm.s32 $0x200  }
0x24: {  	[tilespmem:s24], [sflag:$0x1] =	stream.strided.gather [hbm4b:s23+s3], $0x200, s6, s3, $0x38;
	[tilespmem:$0x6A80] =	vst v63  }
0x25: {  	s22 =	rddreg [dreg:$0x6]  }
0x26: {  	[tilespmem:s6], [sflag:$0x1] =	stream.strided.gather [hbm4b:s22+s3], $0x200, s6, s3, $0x38;
	[tilespmem:$0x6A80] =	vst v63  }
0x27: {  	s23 =	rddreg [dreg:$0x7];
	s24 =	simm.s32 $0x600  }
0x28: {  	[tilespmem:s24], [sflag:$0x1] =	stream.strided.gather [hbm4b:s23+s3], $0x200, s6, s3, $0x38;
	[tilespmem:$0x6A80] =	vst v63  }
0x29: {  	s21 =	rddreg [dreg:$0x8];
	s22 =	simm.s32 $0x800  }
0x2a: {  	[tilespmem:s22], [sflag:$0x1] =	stream.strided.gather [hbm4b:s21+s3], $0x200, s6, s3, $0x38;
	[tilespmem:$0x6A80] =	vst v63  }
0x2b: {  	s23 =	rddreg [dreg:$0x9];
	s24 =	simm.s32 $0xA00  }
0x2c: {  	[tilespmem:s24], [sflag:$0x1] =	stream.strided.gather [hbm4b:s23+s3], $0x200, s6, s3, $0x38;
	[tilespmem:$0x6A80] =	vst v63  }
0x2d: {  	s21 =	rddreg [dreg:$0xa]  }
0x2e: {  	[tilespmem:s7], [sflag:$0x1] =	stream.strided.gather [hbm4b:s21+s3], $0x200, s6, s3, $0x38;
	[tilespmem:$0x6A80] =	vst v63  }
0x2f: {  	s22 =	rddreg [dreg:$0xb]  }
0x30: {  	[tilespmem:s8], [sflag:$0x1] =	stream.strided.gather [hbm4b:s22+s3], $0x200, s6, s3, $0x38;
	[tilespmem:$0x6A80] =	vst v63  }
0x31: {  	s23 =	rddreg [dreg:$0xc];
	s24 =	simm.s32 $0x1000  }
0x32: {  	[tilespmem:s24], [sflag:$0x1] =	stream.strided.gather [hbm4b:s23+s3], $0x200, s6, s3, $0x38;
	[tilespmem:$0x6A80] =	vst v63  }
0x33: {  	s21 =	rddreg [dreg:$0xd];
	s22 =	simm.s32 $0x1200  }
0x34: {  	[tilespmem:s22], [sflag:$0x1] =	stream.strided.gather [hbm4b:s21+s3], $0x200, s6, s3, $0x38;
	[tilespmem:$0x6A80] =	vst v63  }
0x35: {  	s23 =	rddreg [dreg:$0xe];
	s24 =	simm.s32 $0x1400  }
0x36: {  	[tilespmem:s24], [sflag:$0x1] =	stream.strided.gather [hbm4b:s23+s3], $0x200, s6, s3, $0x38;
	[tilespmem:$0x6A80] =	vst v63  }
0x37: {  	s21 =	rddreg [dreg:$0xf];
	s22 =	simm.s32 $0x1600  }
0x38: {  	[tilespmem:s22], [sflag:$0x1] =	stream.strided.gather [hbm4b:s21+s3], $0x200, s6, s3, $0x38;
	[tilespmem:$0x6A80] =	vst v63  }
0x39: {  	s23 =	rddreg [dreg:$0x10];
	s24 =	simm.s32 $0x1800  }
0x3a: {  	[tilespmem:s24], [sflag:$0x1] =	stream.strided.gather [hbm4b:s23+s3], $0x200, s6, s3, $0x38;
	[tilespmem:$0x6A80] =	vst v63  }
0x3b: {  	s22 =	rddreg [dreg:$0x11]  }
0x3c: {  	[tilespmem:s9], [sflag:$0x1] =	stream.strided.gather [hbm4b:s22+s3], $0x200, s6, s3, $0x38;
	[tilespmem:$0x6A80] =	vst v63  }
0x3d: {  	s23 =	rddreg [dreg:$0x12];
	s24 =	simm.s32 $0x1C00  }
0x3e: {  	[tilespmem:s24], [sflag:$0x1] =	stream.strided.gather [hbm4b:s23+s3], $0x200, s6, s3, $0x38;
	[tilespmem:$0x6A80] =	vst v63  }
0x3f: {  	s21 =	rddreg [dreg:$0x13];
	s22 =	simm.s32 $0x1E00  }
0x40: {  	[tilespmem:s22], [sflag:$0x1] =	stream.strided.gather [hbm4b:s21+s3], $0x200, s6, s3, $0x38;
	[tilespmem:$0x6A80] =	vst v63  }
0x41: {  	s23 =	rddreg [dreg:$0x14];
	s24 =	simm.s32 $0x2000  }
0x42: {  	[tilespmem:s24], [sflag:$0x1] =	stream.strided.gather [hbm4b:s23+s3], $0x200, s6, s3, $0x38;
	[tilespmem:$0x6A80] =	vst v63  }
0x43: {  	s21 =	rddreg [dreg:$0x15];
	s22 =	simm.s32 $0x2200  }
0x44: {  	[tilespmem:s22], [sflag:$0x1] =	stream.strided.gather [hbm4b:s21+s3], $0x200, s6, s3, $0x38;
	[tilespmem:$0x6A80] =	vst v63  }
0x45: {  	s23 =	rddreg [dreg:$0x17];
	s24 =	simm.s32 $0x2400  }
0x46: {  	[tilespmem:s24], [sflag:$0x1] =	stream.strided.gather [hbm4b:s23+s3], $0x200, s6, s3, $0x38;
	[tilespmem:$0x6A80] =	vst v63  }
0x47: {  	s22 =	simm.s32 $0x2600  }
0x48: {  	[tilespmem:s22], [sflag:$0x1] =	stream.strided.gather [hbm4b:s26+s3], $0x200, s6, s3, $0x38;
	[tilespmem:$0x6A80] =	vst v63  }
0x49: {  	_ = 	snop  }
0x4a: {  	[tilespmem:s10], [sflag:$0x1] =	stream.strided.gather [hbm4b:s28+s3], $0x200, s6, s3, $0x38;
	[tilespmem:$0x6A80] =	vst v63  }
0x4b: {  	s23 =	simm.s32 $0x2A00  }
0x4c: {  	[tilespmem:s23], [sflag:$0x1] =	stream.strided.gather [hbm4b:s29+s3], $0x200, s6, s3, $0x38;
	[tilespmem:$0x6A80] =	vst v63  }
0x4d: {  	s24 =	simm.s32 $0x2C00  }
0x4e: {  	[tilespmem:s24], [sflag:$0x1] =	stream.strided.gather [hbm4b:s30+s3], $0x200, s6, s3, $0x38;
	[tilespmem:$0x6A80] =	vst v63  }
0x4f: {  	s21 =	simm.s32 $0x2E00  }
0x50: {  	[tilespmem:s21], [sflag:$0x1] =	stream.strided.gather [hbm4b:s31+s3], $0x200, s6, s3, $0x38;
	[tilespmem:$0x6A80] =	vst v63  }
0x51: {  	s22 =	simm.s32 $0x3000  }
0x52: {  	[tilespmem:s22], [sflag:$0x1] =	stream.strided.gather [hbm4b:s0+s3], $0x200, s6, s3, $0x38;
	[tilespmem:$0x6A80] =	vst v63  }
0x53: {  	s23 =	simm.s32 $0x3200  }
0x54: {  	[tilespmem:s23], [sflag:$0x1] =	stream.strided.gather [hbm4b:s1+s3], $0x200, s6, s3, $0x38;
	[tilespmem:$0x6A80] =	vst v63  }
0x55: {  	_ =	swait.ge [sflag:s11], $0x200  }
0x56: {  	[sflag:s11] =	ssyncset.done $0x0  }
0x57: {  	[sflag:s11] =	ssyncadd.s32 $0xFFFFFE00  }
0x58: {  	_ =	swait.ge [sflag:s11], $0x200  }
0x59: {  	[sflag:s11] =	ssyncset.done $0x0  }
0x5a: {  	[sflag:s11] =	ssyncadd.s32 $0xFFFFFE00  }
0x5b: {  	_ =	swait.ge [sflag:s11], $0x200  }
0x5c: {  	[sflag:s11] =	ssyncset.done $0x0  }
0x5d: {  	[sflag:s11] =	ssyncadd.s32 $0xFFFFFE00  }
0x5e: {  	_ =	swait.ge [sflag:s11], $0x200  }
0x5f: {  	[sflag:s11] =	ssyncset.done $0x0  }
0x60: {  	[sflag:s11] =	ssyncadd.s32 $0xFFFFFE00  }
0x61: {  	_ =	swait.ge [sflag:s11], $0x200  }
0x62: {  	[sflag:s11] =	ssyncset.done $0x0  }
0x63: {  	[sflag:s11] =	ssyncadd.s32 $0xFFFFFE00  }
0x64: {  	_ =	swait.ge [sflag:s11], $0x200  }
0x65: {  	[sflag:s11] =	ssyncset.done $0x0  }
0x66: {  	[sflag:s11] =	ssyncadd.s32 $0xFFFFFE00  }
0x67: {  	_ =	swait.ge [sflag:s11], $0x200  }
0x68: {  	[sflag:s11] =	ssyncset.done $0x0  }
0x69: {  	s20 =	simm.s32 $0x3400;
	[sflag:s11] =	ssyncadd.s32 $0xFFFFFE00  }
0x6a: {  	[tilespmem:s20], [sflag:$0x2] =	stream.indirect.gather [hbm4b:s2+s8], $0x1, s4, s8, $0xb8;
	[tilespmem:$0x6A80] =	vst v63  }
0x6b: {  	_ =	swait.ge [sflag:s11], $0x200  }
0x6c: {  	[sflag:s11] =	ssyncset.done $0x0  }
0x6d: {  	[sflag:s11] =	ssyncadd.s32 $0xFFFFFE00  }
0x6e: {  	_ =	swait.ge [sflag:s11], $0x200  }
0x6f: {  	[sflag:s11] =	ssyncset.done $0x0  }
0x70: {  	[sflag:s11] =	ssyncadd.s32 $0xFFFFFE00  }
0x71: {  	_ =	swait.ge [sflag:s11], $0x200  }
0x72: {  	[sflag:s11] =	ssyncset.done $0x0  }
0x73: {  	[sflag:s11] =	ssyncadd.s32 $0xFFFFFE00  }
0x74: {  	_ =	swait.ge [sflag:s11], $0x200  }
0x75: {  	[sflag:s11] =	ssyncset.done $0x0  }
0x76: {  	[sflag:s11] =	ssyncadd.s32 $0xFFFFFE00  }
0x77: {  	_ =	swait.ge [sflag:s11], $0x200  }
0x78: {  	[sflag:s11] =	ssyncset.done $0x0  }
0x79: {  	[sflag:s11] =	ssyncadd.s32 $0xFFFFFE00  }
0x7a: {  	_ =	swait.ge [sflag:s11], $0x200  }
0x7b: {  	[sflag:s11] =	ssyncset.done $0x0  }
0x7c: {  	s24 =	simm.s32 $0x4200;
	[sflag:s11] =	ssyncadd.s32 $0xFFFFFE00  }
0x7d: {  	[tilespmem:s24], [sflag:$0x3] =	stream.indirect.gather [hbm4b:s2+s7], $0x1, s8, s7, $0xb8;
	[tilespmem:$0x6A80] =	vst v63  }
0x7e: {  	_ =	swait.ge [sflag:s11], $0x200  }
0x7f: {  	[sflag:s11] =	ssyncset.done $0x0  }
0x80: {  	[sflag:s11] =	ssyncadd.s32 $0xFFFFFE00  }
0x81: {  	_ =	swait.ge [sflag:s11], $0x200  }
0x82: {  	[sflag:s11] =	ssyncset.done $0x0  }
0x83: {  	[sflag:s11] =	ssyncadd.s32 $0xFFFFFE00  }
0x84: {  	_ =	swait.ge [sflag:s11], $0x200  }
0x85: {  	[sflag:s11] =	ssyncset.done $0x0  }
0x86: {  	[sflag:s11] =	ssyncadd.s32 $0xFFFFFE00  }
0x87: {  	_ =	swait.ge [sflag:s11], $0x200  }
0x88: {  	[sflag:s11] =	ssyncset.done $0x0  }
0x89: {  	[sflag:s11] =	ssyncadd.s32 $0xFFFFFE00  }
0x8a: {  	_ =	swait.ge [sflag:s11], $0x200  }
0x8b: {  	[sflag:s11] =	ssyncset.done $0x0  }
0x8c: {  	[sflag:s11] =	ssyncadd.s32 $0xFFFFFE00  }
0x8d: {  	_ =	swait.ge [sflag:s11], $0x200  }
0x8e: {  	[sflag:s11] =	ssyncset.done $0x0  }
0x8f: {  	[sflag:s11] =	ssyncadd.s32 $0xFFFFFE00  }
0x90: {  	_ =	swait.ge [sflag:s11], $0x200  }
0x91: {  	[sflag:s11] =	ssyncset.done $0x0  }
0x92: {  	s22 =	simm.s32 $0x4E00;
	[sflag:s11] =	ssyncadd.s32 $0xFFFFFE00  }
0x93: {  	[tilespmem:s22], [sflag:$0x4] =	stream.indirect.gather [hbm4b:s2+s8], $0x1, s9, s8, $0xb8;
	[tilespmem:$0x6A80] =	vst v63  }
0x94: {  	_ =	swait.ge [sflag:s11], $0x200  }
0x95: {  	[sflag:s11] =	ssyncset.done $0x0  }
0x96: {  	[sflag:s11] =	ssyncadd.s32 $0xFFFFFE00  }
0x97: {  	_ =	swait.ge [sflag:s11], $0x200  }
0x98: {  	[sflag:s11] =	ssyncset.done $0x0  }
0x99: {  	[sflag:s11] =	ssyncadd.s32 $0xFFFFFE00  }
0x9a: {  	_ =	swait.ge [sflag:s11], $0x200  }
0x9b: {  	[sflag:s11] =	ssyncset.done $0x0  }
0x9c: {  	[sflag:s11] =	ssyncadd.s32 $0xFFFFFE00  }
0x9d: {  	_ =	swait.ge [sflag:s11], $0x200  }
0x9e: {  	[sflag:s11] =	ssyncset.done $0x0  }
0x9f: {  	[sflag:s11] =	ssyncadd.s32 $0xFFFFFE00  }
0xa0: {  	_ =	swait.ge [sflag:s11], $0x200  }
0xa1: {  	[sflag:s11] =	ssyncset.done $0x0  }
0xa2: {  	[sflag:s11] =	ssyncadd.s32 $0xFFFFFE00  }
0xa3: {  	_ =	swait.ge [sflag:s11], $0x200  }
0xa4: {  	[sflag:s11] =	ssyncset.done $0x0  }
0xa5: {  	s23 =	simm.s32 $0x5C00;
	[sflag:s11] =	ssyncadd.s32 $0xFFFFFE00  }
0xa6: {  	[tilespmem:s23], [sflag:$0x5] =	stream.indirect.gather [hbm4b:s2+s7], $0x1, s10, s7, $0xb8;
	[tilespmem:$0x6A80] =	vst v63  }
0xa7: {  	_ =	swait.ge [sflag:s12], $0x1  }
0xa8: {  	[sflag:s12] =	ssyncset.done $0x0  }
0xa9: {  	[sflag:s12] =	ssyncadd.s32 $0xFFFFFFFF  }
0xaa: {  	v0 =	vld.msk [tilespmem:$0x6A00 ss:$0x0], $0xffff;
	_ =	swait.ge [sflag:s13], $0xE00  }
0xab: {  	[sflag:s13] =	ssyncset.done $0x0  }
0xac: {  	[sflag:s13] =	ssyncadd.s32 $0xFFFFF200  }
0xad: {  	v1 =	vld [tilespmem:s20+$0x0]  }
0xae: {  	s24 =	sand.u32 $0x1F0, s4  }
0xaf: {  	v2 =	vld [tilespmem:s24+$0x3600];
	_ =	sdelay $0x1  }
0xb0: {  	v3 =	vld [tilespmem:s24+$0x3800]  }
0xb1: {  	v1 =	vadd.f32 v1, v0  }
0xb2: {  	v4 =	vld [tilespmem:s24+$0x3A00]  }
0xb3: {  	v1 =	vadd.f32 v2, v1  }
0xb4: {  	v2 =	vld [tilespmem:s24+$0x3C00]  }
0xb5: {  	v1 =	vadd.f32 v3, v1  }
0xb6: {  	v3 =	vld [tilespmem:s24+$0x3E00]  }
0xb7: {  	v1 =	vadd.f32 v4, v1  }
0xb8: {  	v63 =	vld [tilespmem:s24+$0x4000]  }
0xb9: {  	v1 =	vadd.f32 v2, v1;
	_ =	sdelay $0x1  }
0xba: {  	v1 =	vadd.f32 v3, v1;
	_ =	sdelay $0x1  }
0xbb: {  	v1 =	vadd.f32 v63, v1;
	_ =	sdelay $0x1  }
0xbc: {  	s21 =	simm.s32 $0x3410;
	[tilespmem:s17+$0x0] =	vst v1  }
0xbd: {  	s22 =	simm.s32 $0x10;
	s23 =	simm.s32 $0x20;
	s20 =	simm.s32 $0x6800;
	v1 =	vld [tilespmem:s21+$0x0]  }
.LBB2_2:
0xbe: {  	p0 =	sne.s32 s23, $0x1F0;
	s24 =	sand.u32 $0x1F0, s22;
	s22 =	smov.u32 s23  }
0xbf: {  	v2 =	vld [tilespmem:s24+$0x3600];
	_ =	sdelay $0x1  }
0xc0: {  	v3 =	vld [tilespmem:s24+$0x3800]  }
0xc1: {  	v1 =	vadd.f32 v1, v0  }
0xc2: {  	v4 =	vld [tilespmem:s24+$0x3A00]  }
0xc3: {  	v1 =	vadd.f32 v2, v1  }
0xc4: {  	v2 =	vld [tilespmem:s24+$0x3C00]  }
0xc5: {  	v1 =	vadd.f32 v3, v1  }
0xc6: {  	v3 =	vld [tilespmem:s24+$0x3E00]  }
0xc7: {  	v1 =	vadd.f32 v4, v1  }
0xc8: {  	v4 =	vld [tilespmem:s24+$0x4000]  }
0xc9: {  	v1 =	vadd.f32 v2, v1;
	_ =	sdelay $0x1  }
0xca: {  	v1 =	vadd.f32 v3, v1  }
.Ltmp0:
0xcb: {  	(pc) =	sbr.rel @p0 .LBB2_2-.Ltmp0, $4  }
0xcc: {  	v1 =	vadd.f32 v4, v1  }
0xcd: {  	s20 =	sadd.s32 $0x10, s20  }
0xce: {  	s21 =	sadd.s32 $0x10, s21;
	[tilespmem:s20+$0x0] =	vst v1  }
0xcf: {  	s23 =	sadd.s32 $0x10, s23;
	v1 =	vld [tilespmem:s21+$0x0]  }
0xd0: {  	s21 =	sand.u32 $0x1F0, s22  }
0xd1: {  	v2 =	vld [tilespmem:s21+$0x3600];
	_ =	sdelay $0x1  }
0xd2: {  	v3 =	vld [tilespmem:s21+$0x3800]  }
0xd3: {  	v0 =	vadd.f32 v1, v0  }
0xd4: {  	v1 =	vld [tilespmem:s21+$0x3A00]  }
0xd5: {  	v0 =	vadd.f32 v2, v0  }
0xd6: {  	v2 =	vld [tilespmem:s21+$0x3C00]  }
0xd7: {  	v0 =	vadd.f32 v3, v0  }
0xd8: {  	v3 =	vld [tilespmem:s21+$0x3E00]  }
0xd9: {  	v0 =	vadd.f32 v1, v0  }
0xda: {  	v1 =	vld [tilespmem:s21+$0x4000]  }
0xdb: {  	v0 =	vadd.f32 v2, v0;
	_ =	sdelay $0x1  }
0xdc: {  	v0 =	vadd.f32 v3, v0;
	_ =	sdelay $0x1  }
0xdd: {  	v0 =	vadd.f32 v1, v0  }
0xde: {  	s20 =	sadd.s32 $0x10, s20  }
0xdf: {  	[tilespmem:s20+$0x0] =	vst v0  }
0xe0: {  	_ =	swait.ge [sflag:s14], $0xC00  }
0xe1: {  	s24 =	simm.s32 $0x0;
	[sflag:s14] =	ssyncset.done $0x0  }
0xe2: {  	s21 =	sand.u32 $0x1F0, s24;
	[sflag:s14] =	ssyncadd.s32 $0xFFFFF400  }
0xe3: {  	s22 =	simm.s32 $0x10;
	s20 =	simm.s32 $0x6800;
	v0 =	vld [tilespmem:s21+$0x4200]  }
.LBB2_4:
0xe4: {  	p0 =	sne.s32 s22, $0x1F0;
	v1 =	vld [tilespmem:s20+$0x0];
	_ =	sdelay $0x1  }
0xe5: {  	v2 =	vld [tilespmem:s21+$0x4400];
	_ =	sdelay $0x1  }
0xe6: {  	v3 =	vld [tilespmem:s21+$0x4600]  }
0xe7: {  	v0 =	vadd.f32 v0, v1  }
0xe8: {  	v1 =	vld [tilespmem:s21+$0x4800]  }
0xe9: {  	v0 =	vadd.f32 v2, v0  }
0xea: {  	v2 =	vld [tilespmem:s21+$0x4A00]  }
0xeb: {  	v0 =	vadd.f32 v3, v0  }
0xec: {  	v3 =	vld [tilespmem:s21+$0x4C00]  }
0xed: {  	v0 =	vadd.f32 v1, v0;
	_ =	sdelay $0x1  }
0xee: {  	v0 =	vadd.f32 v2, v0  }
.Ltmp1:
0xef: {  	(pc) =	sbr.rel @p0 .LBB2_4-.Ltmp1, $3  }
0xf0: {  	v0 =	vadd.f32 v3, v0;
	_ =	sdelay $0x1  }
0xf1: {  	s21 =	sand.u32 $0x1F0, s22;
	[tilespmem:s20+$0x0] =	vst v0  }
0xf2: {  	s22 =	sadd.s32 $0x10, s22;
	s20 =	sadd.s32 $0x10, s20;
	v0 =	vld [tilespmem:s21+$0x4200]  }
0xf3: {  	v1 =	vld [tilespmem:s20+$0x0];
	_ =	sdelay $0x1  }
0xf4: {  	v2 =	vld [tilespmem:s21+$0x4400];
	_ =	sdelay $0x1  }
0xf5: {  	v3 =	vld [tilespmem:s21+$0x4600]  }
0xf6: {  	v0 =	vadd.f32 v0, v1  }
0xf7: {  	v1 =	vld [tilespmem:s21+$0x4800]  }
0xf8: {  	v0 =	vadd.f32 v2, v0  }
0xf9: {  	v2 =	vld [tilespmem:s21+$0x4A00]  }
0xfa: {  	v0 =	vadd.f32 v3, v0  }
0xfb: {  	v3 =	vld [tilespmem:s21+$0x4C00]  }
0xfc: {  	v0 =	vadd.f32 v1, v0;
	_ =	sdelay $0x1  }
0xfd: {  	v0 =	vadd.f32 v2, v0;
	_ =	sdelay $0x1  }
0xfe: {  	v0 =	vadd.f32 v3, v0;
	_ =	sdelay $0x1  }
0xff: {  	[tilespmem:s20+$0x0] =	vst v0  }
0x100: {  	_ =	swait.ge [sflag:s15], $0xE00  }
0x101: {  	s24 =	simm.s32 $0x0;
	[sflag:s15] =	ssyncset.done $0x0  }
0x102: {  	s21 =	sand.u32 $0x1F0, s24;
	[sflag:s15] =	ssyncadd.s32 $0xFFFFF200  }
0x103: {  	s22 =	simm.s32 $0x10;
	s20 =	simm.s32 $0x6800;
	v0 =	vld [tilespmem:s21+$0x4E00]  }
.LBB2_6:
0x104: {  	p0 =	sne.s32 s22, $0x1F0;
	v1 =	vld [tilespmem:s20+$0x0];
	_ =	sdelay $0x1  }
0x105: {  	v2 =	vld [tilespmem:s21+$0x5000];
	_ =	sdelay $0x1  }
0x106: {  	v3 =	vld [tilespmem:s21+$0x5200]  }
0x107: {  	v0 =	vadd.f32 v0, v1  }
0x108: {  	v1 =	vld [tilespmem:s21+$0x5400]  }
0x109: {  	v0 =	vadd.f32 v2, v0  }
0x10a: {  	v2 =	vld [tilespmem:s21+$0x5600]  }
0x10b: {  	v0 =	vadd.f32 v3, v0  }
0x10c: {  	v3 =	vld [tilespmem:s21+$0x5800]  }
0x10d: {  	v0 =	vadd.f32 v1, v0  }
0x10e: {  	v1 =	vld [tilespmem:s21+$0x5A00]  }
0x10f: {  	v0 =	vadd.f32 v2, v0;
	_ =	sdelay $0x1  }
0x110: {  	v0 =	vadd.f32 v3, v0  }
.Ltmp2:
0x111: {  	(pc) =	sbr.rel @p0 .LBB2_6-.Ltmp2, $3  }
0x112: {  	v0 =	vadd.f32 v1, v0;
	_ =	sdelay $0x1  }
0x113: {  	s21 =	sand.u32 $0x1F0, s22;
	[tilespmem:s20+$0x0] =	vst v0  }
0x114: {  	s22 =	sadd.s32 $0x10, s22;
	s20 =	sadd.s32 $0x10, s20;
	v0 =	vld [tilespmem:s21+$0x4E00]  }
0x115: {  	v1 =	vld [tilespmem:s20+$0x0];
	_ =	sdelay $0x1  }
0x116: {  	v2 =	vld [tilespmem:s21+$0x5000];
	_ =	sdelay $0x1  }
0x117: {  	v3 =	vld [tilespmem:s21+$0x5200]  }
0x118: {  	v0 =	vadd.f32 v0, v1  }
0x119: {  	v1 =	vld [tilespmem:s21+$0x5400]  }
0x11a: {  	v0 =	vadd.f32 v2, v0  }
0x11b: {  	v2 =	vld [tilespmem:s21+$0x5600]  }
0x11c: {  	v0 =	vadd.f32 v3, v0  }
0x11d: {  	v3 =	vld [tilespmem:s21+$0x5800]  }
0x11e: {  	v0 =	vadd.f32 v1, v0  }
0x11f: {  	v1 =	vld [tilespmem:s21+$0x5A00]  }
0x120: {  	v0 =	vadd.f32 v2, v0;
	_ =	sdelay $0x1  }
0x121: {  	v0 =	vadd.f32 v3, v0;
	_ =	sdelay $0x1  }
0x122: {  	v0 =	vadd.f32 v1, v0;
	_ =	sdelay $0x1  }
0x123: {  	[tilespmem:s20+$0x0] =	vst v0  }
0x124: {  	_ =	swait.ge [sflag:s16], $0xC00  }
0x125: {  	s24 =	simm.s32 $0x0;
	[sflag:s16] =	ssyncset.done $0x0  }
0x126: {  	s21 =	sand.u32 $0x1F0, s24;
	[sflag:s16] =	ssyncadd.s32 $0xFFFFF400  }
0x127: {  	s22 =	simm.s32 $0x10;
	s20 =	simm.s32 $0x6800;
	v0 =	vld [tilespmem:s21+$0x5C00]  }
.LBB2_8:
0x128: {  	p0 =	sne.s32 s22, $0x1F0;
	v1 =	vld [tilespmem:s20+$0x0];
	_ =	sdelay $0x1  }
0x129: {  	v2 =	vld [tilespmem:s21+$0x5E00];
	_ =	sdelay $0x1  }
0x12a: {  	v3 =	vld [tilespmem:s21+$0x6000]  }
0x12b: {  	v0 =	vadd.f32 v0, v1  }
0x12c: {  	v1 =	vld [tilespmem:s21+$0x6200]  }
0x12d: {  	v0 =	vadd.f32 v2, v0  }
0x12e: {  	v2 =	vld [tilespmem:s21+$0x6400]  }
0x12f: {  	v0 =	vadd.f32 v3, v0  }
0x130: {  	v3 =	vld [tilespmem:s21+$0x6600]  }
0x131: {  	v0 =	vadd.f32 v1, v0;
	_ =	sdelay $0x1  }
0x132: {  	v0 =	vadd.f32 v2, v0  }
.Ltmp3:
0x133: {  	(pc) =	sbr.rel @p0 .LBB2_8-.Ltmp3, $3  }
0x134: {  	v0 =	vadd.f32 v3, v0;
	_ =	sdelay $0x1  }
0x135: {  	s21 =	sand.u32 $0x1F0, s22;
	[tilespmem:s20+$0x0] =	vst v0  }
0x136: {  	s22 =	sadd.s32 $0x10, s22;
	s20 =	sadd.s32 $0x10, s20;
	v0 =	vld [tilespmem:s21+$0x5C00]  }
0x137: {  	v1 =	vld [tilespmem:s20+$0x0];
	_ =	sdelay $0x1  }
0x138: {  	v2 =	vld [tilespmem:s21+$0x5E00];
	_ =	sdelay $0x1  }
0x139: {  	v3 =	vld [tilespmem:s21+$0x6000]  }
0x13a: {  	v0 =	vadd.f32 v0, v1  }
0x13b: {  	v61 =	vld [tilespmem:s21+$0x6200]  }
0x13c: {  	v0 =	vadd.f32 v2, v0  }
0x13d: {  	v62 =	vld [tilespmem:s21+$0x6400]  }
0x13e: {  	v0 =	vadd.f32 v3, v0  }
0x13f: {  	v63 =	vld [tilespmem:s21+$0x6600]  }
0x140: {  	v0 =	vadd.f32 v61, v0;
	_ =	sdelay $0x1  }
0x141: {  	v0 =	vadd.f32 v62, v0;
	_ =	sdelay $0x1  }
0x142: {  	s19 =	sadd.s32 $0x1, s19;
	v0 =	vadd.f32 v63, v0  }
0x143: {  	p0 =	sne.s32 s19, s25  }
.Ltmp4:
0x144: {  	s24 =	rddreg [dreg:$0x16];
	[tilespmem:s20+$0x0] =	vst v0;
	(pc) =	sbr.rel @p0 .LBB2_1-.Ltmp4, $4  }
0x145: {  	[hbm4b:s24+s4] =	stream.linear.scatter [tilespmem:s17], [sflag:$0x7], $0x200, $0x38;
	[tilespmem:$0x6A80] =	vst v63  }
0x146: {  	_ =	swait.ge [sflag:s18], $0x200  }
0x147: {  	[sflag:s18] =	ssyncset.done $0x0  }
0x148: {  	[sflag:s18] =	ssyncadd.s32 $0xFFFFFE00  }
0x149: {  	_ =	sfence.sel $0x180000  }
0x14a: {  	[bflag:$0x0] =	sbarrier.arrive $0xFFFF  }
0x14b: {  	_ =	strace $0x90000047  }
0x14c: {  	s0 =	stileid.u32;
	[bflag:$0x2] =	sbarrier.arrive $0xFFFF  }
0x14d: {  	p0 =	sne.s32 s0, $0x0;
	s0 =	rddreg [dreg:$0x4]  }
0x14e: {  	s0 =	sadd.s32 @!p0 $0x100000, s0  }
0x14f: {  	[sflag:s0] =	ssyncadd.tile.s32 @!p0 $0x1;
	_ =	shalt  }
.Lfunc_end2:
_tile_overlayer_lowered:
.L_overlay_start_2:
0x150: {  	(tag) =	ssettag $0x2  }
0x151: {  	s0 =	rddreg [dreg:$0x0];
	s2 =	stileid.u32  }
0x152: {  	s1 =	rddreg [dreg:$0x1];
	p0 =	sne.s32 s2, $0x0  }
0x153: {  	s3 =	rddreg [dreg:$0x2];
	[bflag:$0x3] =	sbarrier.arrive $0xFFFF;
	s2 =	simm.s32 @!p0 $0x1C07  }
0x154: {  	[timem:s3], [sflag:s2] =	dma.local @!p0 [hbm:s0], s1  }
0x155: {  	s0 =	simm.s32 @!p0 $0x7  }
0x156: {  	_ =	swait.ge @!p0 [sflag:s0], s1  }
0x157: {  	s1 =	ssub.s32 @!p0 $0x0, s1;
	[sflag:s0] =	ssyncset.done @!p0 $0x0  }
0x158: {  	[sflag:s0] =	ssyncadd.s32 @!p0 s1  }
0x159: {  	[bflag:$0x3] =	sbarrier.arrive $0xFFFF  }
0x15a: {  	_ =	shalt  }

</sc_bundles>
